<compile_context>
chip_gen: v7x
topology: tpu7x:2x2x1
jax: 0.10.2.dev20260603
libtpu: 0.0.44.dev20260713+nightly
codegen_flags: <defaults>
</compile_context>

<pallas_src>
import functools

import jax
import jax.numpy as jnp
from jax import lax
from jax.experimental import pallas as pl
from jax.experimental.pallas import tpu as pltpu
from jax.experimental.pallas import tpu_sc as plsc

N_NODES = 10000
HID = 128
OUT = 128
N_EDGES = 320000

NC = 2
NS = 16
NW = NC * NS

CH = 96
CHUNKS0 = 171
CHUNKS1 = 43
C1_BASE = NS * CHUNKS0
TOTAL_CHUNKS = NS * (CHUNKS0 + CHUNKS1)
E_PAD = TOTAL_CHUNKS * CH

ACC_ROWS = 10112
ROWS_PER_TILE = ACC_ROWS // NS
NBT = 6
NCODE = NBT * NBT
HB_PER_TILE = 22528
HBINS = NS * HB_PER_TILE
ZB = 1024

_mesh = plsc.VectorSubcoreMesh(core_axis_name="c", subcore_axis_name="s")


@functools.partial(
    pl.kernel,
    out_type=[
        jax.ShapeDtypeStruct((NC, ACC_ROWS, HID), jnp.float32),
        jax.ShapeDtypeStruct((NC * HBINS,), jnp.float32),
    ],
    mesh=_mesh,
    scratch_types=[
        pltpu.VMEM((3, CH), jnp.int32),
        pltpu.VMEM((3, CH), jnp.int32),
        pltpu.VMEM((CH, HID), jnp.float32),
        pltpu.VMEM((CH, HID), jnp.float32),
        pltpu.VMEM((CH,), jnp.float32),
        pltpu.VMEM((ZB,), jnp.float32),
        pltpu.VMEM_SHARED((ACC_ROWS, HID), jnp.float32),
        pltpu.VMEM_SHARED((HBINS,), jnp.float32),
        pltpu.SemaphoreType.DMA,
        pltpu.SemaphoreType.DMA,
        pltpu.SemaphoreType.DMA,
        pltpu.SemaphoreType.DMA,
    ],
)
def _sc_aggregate(h_hbm, idx_hbm,
                  acc_out, hist_out,
                  ib0, ib1, rb0, rb1, ones_v, zb_v, acc_sh, hist_sh,
                  sg0, sg1, si0, si1):
    cid = lax.axis_index("c")
    sid = lax.axis_index("s")
    nch = jnp.where(cid == 0, CHUNKS0, CHUNKS1)
    cbase = jnp.where(cid == 0, sid * CHUNKS0, C1_BASE + sid * CHUNKS1)

    def zfill(r, carry):
        for k in range(HID // 16):
            rb0[r, pl.ds(k * 16, 16)] = jnp.zeros((16,), jnp.float32)
        return carry

    lax.fori_loop(0, CH, zfill, 0)

    def zfill1(j, carry):
        zb_v[pl.ds(j * 16, 16)] = jnp.zeros((16,), jnp.float32)
        return carry

    lax.fori_loop(0, ZB // 16, zfill1, 0)
    for lo in range(0, ROWS_PER_TILE, CH):
        n = min(CH, ROWS_PER_TILE - lo)
        pltpu.sync_copy(rb0.at[pl.ds(0, n)],
                        acc_sh.at[pl.ds(sid * ROWS_PER_TILE + lo, n)])
    for lo in range(0, HB_PER_TILE, ZB):
        n = min(ZB, HB_PER_TILE - lo)
        pltpu.sync_copy(zb_v.at[pl.ds(0, n)],
                        hist_sh.at[pl.ds(sid * HB_PER_TILE + lo, n)])
    for j in range(CH // 16):
        ones_v[pl.ds(j * 16, 16)] = jnp.ones((16,), jnp.float32)
    plsc.subcore_barrier()

    ibs, rbs, sgs, sis = (ib0, ib1), (rb0, rb1), (sg0, sg1), (si0, si1)

    pltpu.sync_copy(idx_hbm.at[cbase], ib0)
    pltpu.async_copy(h_hbm.at[ib0.at[0]], rb0, sg0)
    pltpu.async_copy(idx_hbm.at[cbase + 1], ib1, si1)

    def step(i, b, last):
        nb = 1 - b
        if not last:
            pltpu.make_async_copy(idx_hbm.at[cbase + i + 1],
                                  ibs[nb], sis[nb]).wait()
            pltpu.async_copy(h_hbm.at[ibs[nb].at[0]], rbs[nb], sgs[nb])
        pltpu.make_async_copy(h_hbm.at[ibs[b].at[0]], rbs[b], sgs[b]).wait()
        pltpu.sync_copy(rbs[b], acc_sh.at[ibs[b].at[1]], add=True)
        pltpu.sync_copy(ones_v, hist_sh.at[ibs[b].at[2]], add=True)
        if not last:
            nxt = jnp.minimum(i + 2, nch - 1)
            pltpu.async_copy(idx_hbm.at[cbase + nxt], ibs[b], sis[b])

    def outer(g, carry):
        for b in range(2):
            step(2 * g + b, b, last=False)
        return carry

    lax.fori_loop(0, (nch - 1) // 2, outer, 0)
    pltpu.make_async_copy(idx_hbm.at[cbase + nch - 1], ib1, si1).wait()
    step(nch - 1, 0, last=True)
    plsc.subcore_barrier()

    pltpu.sync_copy(acc_sh.at[pl.ds(sid * ROWS_PER_TILE, ROWS_PER_TILE)],
                    acc_out.at[cid, pl.ds(sid * ROWS_PER_TILE, ROWS_PER_TILE)])
    pltpu.sync_copy(hist_sh.at[pl.ds(sid * HB_PER_TILE, HB_PER_TILE)],
                    hist_out.at[pl.ds(cid * HBINS + sid * HB_PER_TILE, HB_PER_TILE)])


def _tc_encode(x_ref, w_ref, a_ref, o_ref):
    xb = x_ref[...]
    h = jnp.maximum(xb, 0.0) + a_ref[0, 0] * jnp.minimum(xb, 0.0)
    o_ref[...] = lax.dot_general(h, w_ref[...], (((1,), (1,)), ((), ())),
                                 preferred_element_type=jnp.float32)


def _tc_mlp(acc0_ref, acc1_ref, h_ref, hi0_ref, hi1_ref, e_ref, sl_ref,
            w1_ref, b1_ref, w2_ref, b2_ref, o_ref):
    aggr = acc0_ref[...] + acc1_ref[...] + h_ref[...] + sl_ref[...]
    aggr = aggr + jnp.dot(hi0_ref[...] + hi1_ref[...], e_ref[...],
                          preferred_element_type=jnp.float32)
    hid = lax.dot_general(aggr, w1_ref[...], (((1,), (1,)), ((), ())),
                          preferred_element_type=jnp.float32) + b1_ref[...]
    hid = hid * jax.nn.sigmoid(hid)
    o_ref[...] = lax.dot_general(hid, w2_ref[...], (((1,), (1,)), ((), ())),
                                 preferred_element_type=jnp.float32) + b2_ref[...]


_BLK = 1000
_GRID = N_NODES // _BLK


def kernel(x, edge_index, edge_attr, a, W_enc, emb1, emb2, W1, b1, W2, b2):
    f32 = jnp.float32
    h = pl.pallas_call(
        _tc_encode,
        grid=(_GRID,),
        in_specs=[
            pl.BlockSpec((_BLK, HID), lambda i: (i, 0)),
            pl.BlockSpec((HID, HID), lambda i: (0, 0)),
            pl.BlockSpec((1, 1), lambda i: (0, 0)),
        ],
        out_specs=pl.BlockSpec((_BLK, HID), lambda i: (i, 0)),
        out_shape=jax.ShapeDtypeStruct((N_NODES, HID), f32),
    )(x, W_enc, jnp.reshape(a, (1, 1)))

    src = edge_index[0].astype(jnp.int32)
    dst = edge_index[1].astype(jnp.int32)
    code = (edge_attr[:, 0] * NBT + edge_attr[:, 1]).astype(jnp.int32)
    pad = E_PAD - N_EDGES
    src_p = jnp.concatenate([src, jnp.zeros((pad,), jnp.int32)]
                            ).reshape(TOTAL_CHUNKS, CH)
    dst_p = jnp.concatenate([dst, jnp.full((pad,), N_NODES, jnp.int32)]
                            ).reshape(TOTAL_CHUNKS, CH)
    hix_p = jnp.concatenate([dst * NCODE + code,
                             jnp.full((pad,), N_NODES * NCODE, jnp.int32)]
                            ).reshape(TOTAL_CHUNKS, CH)
    idx_p = jnp.stack([src_p, dst_p, hix_p], axis=1)

    accs, hists = _sc_aggregate(h, idx_p)
    accs = accs[:, :N_NODES]

    etab = (emb1[:, None, :] + emb2[None, :, :]).reshape(NCODE, HID)
    slvec = (emb1[5] + emb2[0]).reshape(1, HID)
    hi0 = hists[:N_NODES * NCODE].reshape(N_NODES, NCODE)
    hi1 = hists[HBINS:HBINS + N_NODES * NCODE].reshape(N_NODES, NCODE)
    out = pl.pallas_call(
        _tc_mlp,
        grid=(_GRID,),
        in_specs=[
            pl.BlockSpec((_BLK, HID), lambda i: (i, 0)),
            pl.BlockSpec((_BLK, HID), lambda i: (i, 0)),
            pl.BlockSpec((_BLK, HID), lambda i: (i, 0)),
            pl.BlockSpec((_BLK, NCODE), lambda i: (i, 0)),
            pl.BlockSpec((_BLK, NCODE), lambda i: (i, 0)),
            pl.BlockSpec((NCODE, HID), lambda i: (0, 0)),
            pl.BlockSpec((1, HID), lambda i: (0, 0)),
            pl.BlockSpec((2 * HID, HID), lambda i: (0, 0)),
            pl.BlockSpec((1, 2 * HID), lambda i: (0, 0)),
            pl.BlockSpec((OUT, 2 * HID), lambda i: (0, 0)),
            pl.BlockSpec((1, OUT), lambda i: (0, 0)),
        ],
        out_specs=pl.BlockSpec((_BLK, OUT), lambda i: (i, 0)),
        out_shape=jax.ShapeDtypeStruct((N_NODES, OUT), f32),
    )(accs[0], accs[1], h, hi0, hi1, etab, slvec,
      W1, jnp.reshape(b1, (1, 2 * HID)), W2, jnp.reshape(b2, (1, OUT)))
    return out

# --- scband reference (transcript-rebuilt; emitter-appended) ---
"""Pipeline reference for scband-gnndecoder-56659208569397 (READ-ONLY COPY).

The authoritative reference and input builder live on the scoring server;
editing this copy changes nothing except your own understanding.
"""

import jax, jax.numpy as jnp
import numpy as np

N_NODES = 10000
N_EDGES = 320000
HID = 128
OUT = 128
NUM_BOND_TYPE = 6
NUM_BOND_DIR = 6


def setup_inputs(seed: int = 0) -> dict:
    key = jax.random.key(seed)
    ks = jax.random.split(key, 10)
    x = jax.random.normal(ks[0], (N_NODES, HID), dtype=jnp.float32)
    edge_index = jax.random.randint(ks[1], (2, N_EDGES), 0, N_NODES, dtype=jnp.int64 if jax.config.jax_enable_x64 else jnp.int32)
    edge_attr = jax.random.randint(ks[2], (N_EDGES, 2), 0, 6, dtype=jnp.int64 if jax.config.jax_enable_x64 else jnp.int32)
    # parameters
    a = jnp.asarray(0.25, dtype=jnp.float32)  # PReLU weight (num_parameters=1)
    W_enc = jax.random.normal(ks[3], (HID, HID), dtype=jnp.float32) * (1.0 / np.sqrt(HID))
    emb1 = jax.random.normal(ks[4], (NUM_BOND_TYPE, HID), dtype=jnp.float32) * np.sqrt(6.0 / (NUM_BOND_TYPE + HID))
    emb2 = jax.random.normal(ks[5], (NUM_BOND_DIR, HID), dtype=jnp.float32) * np.sqrt(6.0 / (NUM_BOND_DIR + HID))
    W1 = jax.random.normal(ks[6], (2 * HID, HID), dtype=jnp.float32) * (1.0 / np.sqrt(HID))
    b1 = jnp.zeros((2 * HID,), dtype=jnp.float32)
    W2 = jax.random.normal(ks[7], (OUT, 2 * HID), dtype=jnp.float32) * (1.0 / np.sqrt(2 * HID))
    b2 = jnp.zeros((OUT,), dtype=jnp.float32)
    return {"x": x, "edge_index": edge_index, "edge_attr": edge_attr, "a": a,
            "W_enc": W_enc, "emb1": emb1, "emb2": emb2, "W1": W1, "b1": b1,
            "W2": W2, "b2": b2}


def reference(x, edge_index, edge_attr, a, W_enc, emb1, emb2, W1, b1, W2, b2):
    # PReLU activation
    h = jnp.maximum(x, 0) + a * jnp.minimum(x, 0)
    # enc_to_dec linear (no bias)
    h = h @ W_enc.T
    N = h.shape[0]
    # add self loops
    loop = jnp.arange(N, dtype=edge_index.dtype)
    ei = jnp.concatenate([edge_index, jnp.stack([loop, loop])], axis=1)
    sl_attr = jnp.concatenate([
        jnp.full((N, 1), 5, dtype=edge_attr.dtype),
        jnp.zeros((N, 1), dtype=edge_attr.dtype)], axis=1)
    ea = jnp.concatenate([edge_attr, sl_attr], axis=0)
    # edge embeddings: gather from both tables
    edge_emb = jnp.take(emb1, ea[:, 0], axis=0) + jnp.take(emb2, ea[:, 1], axis=0)
    # message: x_j + edge_attr (source = ei[0])
    msg = jnp.take(h, ei[0], axis=0) + edge_emb
    # aggregate 'add' at destination = ei[1]
    aggr = jax.ops.segment_sum(msg, ei[1], num_segments=N)
    # update MLP: Linear -> SiLU -> Linear
    hid = aggr @ W1.T + b1
    hid = hid * jax.nn.sigmoid(hid)
    out = hid @ W2.T + b2
    return out

if __name__ == "__main__":
    import jax
    _d = setup_inputs()
    print(jax.jit(kernel)(*tuple(_d.values())))

</pallas_src>

<mosaic_0001>
#map = affine_map<(d0, d1) -> (0, 0)>
#map1 = affine_map<(d0, d1) -> (0, 0, 0)>
#map2 = affine_map<(d0, d1) -> (0)>
module attributes {stable_mosaic.version = 14 : i64} {
  func.func @_sc_aggregate(%arg0: i32, %arg1: i32, %arg2: memref<10000x128xf32, #tpu.memory_space<hbm>>, %arg3: memref<3424x3x96xi32, #tpu.memory_space<hbm>>, %arg4: memref<2x10112x128xf32, #tpu.memory_space<hbm>>, %arg5: memref<720896xf32, #tpu.memory_space<hbm>>, %arg6: memref<3x96xi32, #tpu.memory_space<vmem>>, %arg7: memref<3x96xi32, #tpu.memory_space<vmem>>, %arg8: memref<96x128xf32, #tpu.memory_space<vmem>>, %arg9: memref<96x128xf32, #tpu.memory_space<vmem>>, %arg10: memref<96xf32, #tpu.memory_space<vmem>>, %arg11: memref<1024xf32, #tpu.memory_space<vmem>>, %arg12: memref<10112x128xf32, #tpu.memory_space<vmem_shared>>, %arg13: memref<360448xf32, #tpu.memory_space<vmem_shared>>, %arg14: memref<!tpu.dma_semaphore, #tpu.memory_space<semaphore_mem>>, %arg15: memref<!tpu.dma_semaphore, #tpu.memory_space<semaphore_mem>>, %arg16: memref<!tpu.dma_semaphore, #tpu.memory_space<semaphore_mem>>, %arg17: memref<!tpu.dma_semaphore, #tpu.memory_space<semaphore_mem>>) attributes {dimension_semantics = [#tpu.dimension_semantics<core_parallel>, #tpu.dimension_semantics<subcore_parallel>], iteration_bounds = array<i64: 2, 16>, scalar_prefetch = 0 : i64, scratch_operands = 12 : i64, tpu.core_type = #tpu.core_type<sc_vector_subcore>, window_params = [{transform_indices = #map}, {transform_indices = #map1}, {transform_indices = #map1}, {transform_indices = #map2}]} {
    %eq3A = arith.constant 0 : i32
    %eq3A_0 = arith.cmpi eq, %arg0, %eq3A : i32
    %jit3A = arith.constant 171 : i32
    %jit3A_1 = arith.constant 43 : i32
    %select_n3A = arith.select %eq3A_0, %jit3A, %jit3A_1 : i32
    %eq3A_2 = arith.constant 0 : i32
    %eq3A_3 = arith.cmpi eq, %arg0, %eq3A_2 : i32
    %mul3A = arith.constant 171 : i32
    %mul3A_4 = arith.muli %arg1, %mul3A : i32
    %mul3A_5 = arith.constant 43 : i32
    %mul3A_6 = arith.muli %arg1, %mul3A_5 : i32
    %add3A = arith.constant 2736 : i32
    %add3A_7 = arith.addi %add3A, %mul3A_6 : i32
    %select_n3A_8 = arith.select %eq3A_3, %mul3A_4, %add3A_7 : i32
    %scan3A = arith.constant 0 : i32
    %scan3A_9 = arith.constant 0 : i32
    %scan3A_10 = arith.constant 96 : i32
    %scan3A_11 = arith.addi %scan3A_9, %scan3A_10 : i32
    %scan3A_12 = arith.constant 1 : i32
    scf.for %scan3A_247 = %scan3A_9 to %scan3A_11 step %scan3A_12  : i32 {
      %broadcast_in_dim3A_248 = arith.constant 0.000000e+00 : f32
      %broadcast_in_dim3A_249 = vector.broadcast %broadcast_in_dim3A_248 : f32 to vector<16xf32>
      %swap3A_250 = arith.index_cast %scan3A_247 : i32 to index
      %swap3A_251 = arith.constant 0 : index
      %swap3A_252 = tpu.vector_load %arg8[%swap3A_250, %swap3A_251] {strides = array<i32>} : memref<96x128xf32, #tpu.memory_space<vmem>>, vector<1x16xf32>,
      %swap3A_253 = vector.shape_cast %swap3A_252 : vector<1x16xf32> to vector<16xf32>
      %swap3A_254 = vector.shape_cast %broadcast_in_dim3A_249 : vector<16xf32> to vector<1x16xf32>
      tpu.vector_store %arg8[%swap3A_250, %swap3A_251], %swap3A_254 {strides = array<i32>} : memref<96x128xf32, #tpu.memory_space<vmem>>, vector<1x16xf32>,
      %broadcast_in_dim3A_255 = arith.constant 0.000000e+00 : f32
      %broadcast_in_dim3A_256 = vector.broadcast %broadcast_in_dim3A_255 : f32 to vector<16xf32>
      %swap3A_257 = arith.index_cast %scan3A_247 : i32 to index
      %swap3A_258 = arith.constant 16 : index
      %swap3A_259 = tpu.vector_load %arg8[%swap3A_257, %swap3A_258] {strides = array<i32>} : memref<96x128xf32, #tpu.memory_space<vmem>>, vector<1x16xf32>,
      %swap3A_260 = vector.shape_cast %swap3A_259 : vector<1x16xf32> to vector<16xf32>
      %swap3A_261 = vector.shape_cast %broadcast_in_dim3A_256 : vector<16xf32> to vector<1x16xf32>
      tpu.vector_store %arg8[%swap3A_257, %swap3A_258], %swap3A_261 {strides = array<i32>} : memref<96x128xf32, #tpu.memory_space<vmem>>, vector<1x16xf32>,
      %broadcast_in_dim3A_262 = arith.constant 0.000000e+00 : f32
      %broadcast_in_dim3A_263 = vector.broadcast %broadcast_in_dim3A_262 : f32 to vector<16xf32>
      %swap3A_264 = arith.index_cast %scan3A_247 : i32 to index
      %swap3A_265 = arith.constant 32 : index
      %swap3A_266 = tpu.vector_load %arg8[%swap3A_264, %swap3A_265] {strides = array<i32>} : memref<96x128xf32, #tpu.memory_space<vmem>>, vector<1x16xf32>,
      %swap3A_267 = vector.shape_cast %swap3A_266 : vector<1x16xf32> to vector<16xf32>
      %swap3A_268 = vector.shape_cast %broadcast_in_dim3A_263 : vector<16xf32> to vector<1x16xf32>
      tpu.vector_store %arg8[%swap3A_264, %swap3A_265], %swap3A_268 {strides = array<i32>} : memref<96x128xf32, #tpu.memory_space<vmem>>, vector<1x16xf32>,
      %broadcast_in_dim3A_269 = arith.constant 0.000000e+00 : f32
      %broadcast_in_dim3A_270 = vector.broadcast %broadcast_in_dim3A_269 : f32 to vector<16xf32>
      %swap3A_271 = arith.index_cast %scan3A_247 : i32 to index
      %swap3A_272 = arith.constant 48 : index
      %swap3A_273 = tpu.vector_load %arg8[%swap3A_271, %swap3A_272] {strides = array<i32>} : memref<96x128xf32, #tpu.memory_space<vmem>>, vector<1x16xf32>,
      %swap3A_274 = vector.shape_cast %swap3A_273 : vector<1x16xf32> to vector<16xf32>
      %swap3A_275 = vector.shape_cast %broadcast_in_dim3A_270 : vector<16xf32> to vector<1x16xf32>
      tpu.vector_store %arg8[%swap3A_271, %swap3A_272], %swap3A_275 {strides = array<i32>} : memref<96x128xf32, #tpu.memory_space<vmem>>, vector<1x16xf32>,
      %broadcast_in_dim3A_276 = arith.constant 0.000000e+00 : f32
      %broadcast_in_dim3A_277 = vector.broadcast %broadcast_in_dim3A_276 : f32 to vector<16xf32>
      %swap3A_278 = arith.index_cast %scan3A_247 : i32 to index
      %swap3A_279 = arith.constant 64 : index
      %swap3A_280 = tpu.vector_load %arg8[%swap3A_278, %swap3A_279] {strides = array<i32>} : memref<96x128xf32, #tpu.memory_space<vmem>>, vector<1x16xf32>,
      %swap3A_281 = vector.shape_cast %swap3A_280 : vector<1x16xf32> to vector<16xf32>
      %swap3A_282 = vector.shape_cast %broadcast_in_dim3A_277 : vector<16xf32> to vector<1x16xf32>
      tpu.vector_store %arg8[%swap3A_278, %swap3A_279], %swap3A_282 {strides = array<i32>} : memref<96x128xf32, #tpu.memory_space<vmem>>, vector<1x16xf32>,
      %broadcast_in_dim3A_283 = arith.constant 0.000000e+00 : f32
      %broadcast_in_dim3A_284 = vector.broadcast %broadcast_in_dim3A_283 : f32 to vector<16xf32>
      %swap3A_285 = arith.index_cast %scan3A_247 : i32 to index
      %swap3A_286 = arith.constant 80 : index
      %swap3A_287 = tpu.vector_load %arg8[%swap3A_285, %swap3A_286] {strides = array<i32>} : memref<96x128xf32, #tpu.memory_space<vmem>>, vector<1x16xf32>,
      %swap3A_288 = vector.shape_cast %swap3A_287 : vector<1x16xf32> to vector<16xf32>
      %swap3A_289 = vector.shape_cast %broadcast_in_dim3A_284 : vector<16xf32> to vector<1x16xf32>
      tpu.vector_store %arg8[%swap3A_285, %swap3A_286], %swap3A_289 {strides = array<i32>} : memref<96x128xf32, #tpu.memory_space<vmem>>, vector<1x16xf32>,
      %broadcast_in_dim3A_290 = arith.constant 0.000000e+00 : f32
      %broadcast_in_dim3A_291 = vector.broadcast %broadcast_in_dim3A_290 : f32 to vector<16xf32>
      %swap3A_292 = arith.index_cast %scan3A_247 : i32 to index
      %swap3A_293 = arith.constant 96 : index
      %swap3A_294 = tpu.vector_load %arg8[%swap3A_292, %swap3A_293] {strides = array<i32>} : memref<96x128xf32, #tpu.memory_space<vmem>>, vector<1x16xf32>,
      %swap3A_295 = vector.shape_cast %swap3A_294 : vector<1x16xf32> to vector<16xf32>
      %swap3A_296 = vector.shape_cast %broadcast_in_dim3A_291 : vector<16xf32> to vector<1x16xf32>
      tpu.vector_store %arg8[%swap3A_292, %swap3A_293], %swap3A_296 {strides = array<i32>} : memref<96x128xf32, #tpu.memory_space<vmem>>, vector<1x16xf32>,
      %broadcast_in_dim3A_297 = arith.constant 0.000000e+00 : f32
      %broadcast_in_dim3A_298 = vector.broadcast %broadcast_in_dim3A_297 : f32 to vector<16xf32>
      %swap3A_299 = arith.index_cast %scan3A_247 : i32 to index
      %swap3A_300 = arith.constant 112 : index
      %swap3A_301 = tpu.vector_load %arg8[%swap3A_299, %swap3A_300] {strides = array<i32>} : memref<96x128xf32, #tpu.memory_space<vmem>>, vector<1x16xf32>,
      %swap3A_302 = vector.shape_cast %swap3A_301 : vector<1x16xf32> to vector<16xf32>
      %swap3A_303 = vector.shape_cast %broadcast_in_dim3A_298 : vector<16xf32> to vector<1x16xf32>
      tpu.vector_store %arg8[%swap3A_299, %swap3A_300], %swap3A_303 {strides = array<i32>} : memref<96x128xf32, #tpu.memory_space<vmem>>, vector<1x16xf32>,
    }
    %scan3A_13 = arith.constant 96 : i32
    %scan3A_14 = arith.constant 0 : i32
    %scan3A_15 = arith.constant 0 : i32
    %scan3A_16 = arith.constant 64 : i32
    %scan3A_17 = arith.addi %scan3A_15, %scan3A_16 : i32
    %scan3A_18 = arith.constant 1 : i32
    scf.for %scan3A_247 = %scan3A_15 to %scan3A_17 step %scan3A_18  : i32 {
      %broadcast_in_dim3A_248 = arith.constant 0.000000e+00 : f32
      %broadcast_in_dim3A_249 = vector.broadcast %broadcast_in_dim3A_248 : f32 to vector<16xf32>
      %mul3A_250 = arith.constant 16 : i32
      %mul3A_251 = arith.muli %scan3A_247, %mul3A_250 : i32
      %swap3A_252 = arith.index_cast %mul3A_251 : i32 to index
      %swap3A_253 = tpu.vector_load %arg11[%swap3A_252] {strides = array<i32>} : memref<1024xf32, #tpu.memory_space<vmem>>, vector<16xf32>,
      %swap3A_254 = vector.shape_cast %swap3A_253 : vector<16xf32> to vector<16xf32>
      %swap3A_255 = vector.shape_cast %broadcast_in_dim3A_249 : vector<16xf32> to vector<16xf32>
      tpu.vector_store %arg11[%swap3A_252], %swap3A_255 {strides = array<i32>} : memref<1024xf32, #tpu.memory_space<vmem>>, vector<16xf32>,
    }
    %scan3A_19 = arith.constant 64 : i32
    %mul3A_20 = arith.constant 632 : i32
    %mul3A_21 = arith.muli %arg1, %mul3A_20 : i32
    %add3A_22 = arith.constant 0 : i32
    %add3A_23 = arith.addi %mul3A_21, %add3A_22 : i32
    "tpu.region"() ({
      %run_scoped3A_247 = tpu.sem_alloc : memref<!tpu.dma_semaphore, #tpu.memory_space<semaphore_mem>>
      %dma_start3A_248 = arith.constant 0 : i32
      %dma_start3A_249 = arith.constant 0 : i32
      %dma_start3A_250 = tpu.memref_slice %arg8[%dma_start3A_248, %dma_start3A_249] : memref<96x128xf32, #tpu.memory_space<vmem>> -> memref<96x128xf32, #tpu.memory_space<vmem>>
      %dma_start3A_251 = arith.constant 0 : i32
      %dma_start3A_252 = tpu.memref_slice %arg12[%add3A_23, %dma_start3A_251] : memref<10112x128xf32, #tpu.memory_space<vmem_shared>> -> memref<96x128xf32, #tpu.memory_space<vmem_shared>>
      %dma_start3A_253 = arith.constant 0 : i32
      %dma_start3A_254 = tpu.memref_slice %arg12[%add3A_23, %dma_start3A_253] : memref<10112x128xf32, #tpu.memory_space<vmem_shared>> -> memref<96x128xf32, #tpu.memory_space<vmem_shared>>
      %dma_start3A_255 = arith.constant 0 : i32
      %dma_start3A_256 = arith.constant 0 : i32
      %dma_start3A_257 = tpu.memref_slice %arg8[%dma_start3A_255, %dma_start3A_256] : memref<96x128xf32, #tpu.memory_space<vmem>> -> memref<96x128xf32, #tpu.memory_space<vmem>>
      tpu.enqueue_dma source(%dma_start3A_257 : memref<96x128xf32, #tpu.memory_space<vmem>>) target(%dma_start3A_254 : memref<96x128xf32, #tpu.memory_space<vmem_shared>>) target_semaphore(%run_scoped3A_247 : memref<!tpu.dma_semaphore, #tpu.memory_space<semaphore_mem>>)
      %dma_wait3A_258 = arith.constant 0 : i32
      %dma_wait3A_259 = arith.constant 0 : i32
      %dma_wait3A_260 = tpu.memref_slice %arg8[%dma_wait3A_258, %dma_wait3A_259] : memref<96x128xf32, #tpu.memory_space<vmem>> -> memref<96x128xf32, #tpu.memory_space<vmem>>
      %dma_wait3A_261 = arith.constant 0 : i32
      %dma_wait3A_262 = tpu.memref_slice %arg12[%add3A_23, %dma_wait3A_261] : memref<10112x128xf32, #tpu.memory_space<vmem_shared>> -> memref<96x128xf32, #tpu.memory_space<vmem_shared>>
      %dma_wait3A_263 = arith.constant 0 : i32
      %dma_wait3A_264 = tpu.memref_slice %arg12[%add3A_23, %dma_wait3A_263] : memref<10112x128xf32, #tpu.memory_space<vmem_shared>> -> memref<96x128xf32, #tpu.memory_space<vmem_shared>>
      %dma_wait3A_265 = arith.constant 0 : i32
      %dma_wait3A_266 = arith.constant 0 : i32
      %dma_wait3A_267 = tpu.memref_slice %arg8[%dma_wait3A_265, %dma_wait3A_266] : memref<96x128xf32, #tpu.memory_space<vmem>> -> memref<96x128xf32, #tpu.memory_space<vmem>>
      tpu.wait_dma2 semaphore(%run_scoped3A_247 : memref<!tpu.dma_semaphore, #tpu.memory_space<semaphore_mem>>) src(%dma_wait3A_267 : memref<96x128xf32, #tpu.memory_space<vmem>>) dst(%dma_wait3A_264 : memref<96x128xf32, #tpu.memory_space<vmem_shared>>)
      tpu.yield
    }) : () -> ()
    %mul3A_24 = arith.constant 632 : i32
    %mul3A_25 = arith.muli %arg1, %mul3A_24 : i32
    %add3A_26 = arith.constant 96 : i32
    %add3A_27 = arith.addi %mul3A_25, %add3A_26 : i32
    "tpu.region"() ({
      %run_scoped3A_247 = tpu.sem_alloc : memref<!tpu.dma_semaphore, #tpu.memory_space<semaphore_mem>>
      %dma_start3A_248 = arith.constant 0 : i32
      %dma_start3A_249 = arith.constant 0 : i32
      %dma_start3A_250 = tpu.memref_slice %arg8[%dma_start3A_248, %dma_start3A_249] : memref<96x128xf32, #tpu.memory_space<vmem>> -> memref<96x128xf32, #tpu.memory_space<vmem>>
      %dma_start3A_251 = arith.constant 0 : i32
      %dma_start3A_252 = tpu.memref_slice %arg12[%add3A_27, %dma_start3A_251] : memref<10112x128xf32, #tpu.memory_space<vmem_shared>> -> memref<96x128xf32, #tpu.memory_space<vmem_shared>>
      %dma_start3A_253 = arith.constant 0 : i32
      %dma_start3A_254 = tpu.memref_slice %arg12[%add3A_27, %dma_start3A_253] : memref<10112x128xf32, #tpu.memory_space<vmem_shared>> -> memref<96x128xf32, #tpu.memory_space<vmem_shared>>
      %dma_start3A_255 = arith.constant 0 : i32
      %dma_start3A_256 = arith.constant 0 : i32
      %dma_start3A_257 = tpu.memref_slice %arg8[%dma_start3A_255, %dma_start3A_256] : memref<96x128xf32, #tpu.memory_space<vmem>> -> memref<96x128xf32, #tpu.memory_space<vmem>>
      tpu.enqueue_dma source(%dma_start3A_257 : memref<96x128xf32, #tpu.memory_space<vmem>>) target(%dma_start3A_254 : memref<96x128xf32, #tpu.memory_space<vmem_shared>>) target_semaphore(%run_scoped3A_247 : memref<!tpu.dma_semaphore, #tpu.memory_space<semaphore_mem>>)
      %dma_wait3A_258 = arith.constant 0 : i32
      %dma_wait3A_259 = arith.constant 0 : i32
      %dma_wait3A_260 = tpu.memref_slice %arg8[%dma_wait3A_258, %dma_wait3A_259] : memref<96x128xf32, #tpu.memory_space<vmem>> -> memref<96x128xf32, #tpu.memory_space<vmem>>
      %dma_wait3A_261 = arith.constant 0 : i32
      %dma_wait3A_262 = tpu.memref_slice %arg12[%add3A_27, %dma_wait3A_261] : memref<10112x128xf32, #tpu.memory_space<vmem_shared>> -> memref<96x128xf32, #tpu.memory_space<vmem_shared>>
      %dma_wait3A_263 = arith.constant 0 : i32
      %dma_wait3A_264 = tpu.memref_slice %arg12[%add3A_27, %dma_wait3A_263] : memref<10112x128xf32, #tpu.memory_space<vmem_shared>> -> memref<96x128xf32, #tpu.memory_space<vmem_shared>>
      %dma_wait3A_265 = arith.constant 0 : i32
      %dma_wait3A_266 = arith.constant 0 : i32
      %dma_wait3A_267 = tpu.memref_slice %arg8[%dma_wait3A_265, %dma_wait3A_266] : memref<96x128xf32, #tpu.memory_space<vmem>> -> memref<96x128xf32, #tpu.memory_space<vmem>>
      tpu.wait_dma2 semaphore(%run_scoped3A_247 : memref<!tpu.dma_semaphore, #tpu.memory_space<semaphore_mem>>) src(%dma_wait3A_267 : memref<96x128xf32, #tpu.memory_space<vmem>>) dst(%dma_wait3A_264 : memref<96x128xf32, #tpu.memory_space<vmem_shared>>)
      tpu.yield
    }) : () -> ()
    %mul3A_28 = arith.constant 632 : i32
    %mul3A_29 = arith.muli %arg1, %mul3A_28 : i32
    %add3A_30 = arith.constant 192 : i32
    %add3A_31 = arith.addi %mul3A_29, %add3A_30 : i32
    "tpu.region"() ({
      %run_scoped3A_247 = tpu.sem_alloc : memref<!tpu.dma_semaphore, #tpu.memory_space<semaphore_mem>>
      %dma_start3A_248 = arith.constant 0 : i32
      %dma_start3A_249 = arith.constant 0 : i32
      %dma_start3A_250 = tpu.memref_slice %arg8[%dma_start3A_248, %dma_start3A_249] : memref<96x128xf32, #tpu.memory_space<vmem>> -> memref<96x128xf32, #tpu.memory_space<vmem>>
      %dma_start3A_251 = arith.constant 0 : i32
      %dma_start3A_252 = tpu.memref_slice %arg12[%add3A_31, %dma_start3A_251] : memref<10112x128xf32, #tpu.memory_space<vmem_shared>> -> memref<96x128xf32, #tpu.memory_space<vmem_shared>>
      %dma_start3A_253 = arith.constant 0 : i32
      %dma_start3A_254 = tpu.memref_slice %arg12[%add3A_31, %dma_start3A_253] : memref<10112x128xf32, #tpu.memory_space<vmem_shared>> -> memref<96x128xf32, #tpu.memory_space<vmem_shared>>
      %dma_start3A_255 = arith.constant 0 : i32
      %dma_start3A_256 = arith.constant 0 : i32
      %dma_start3A_257 = tpu.memref_slice %arg8[%dma_start3A_255, %dma_start3A_256] : memref<96x128xf32, #tpu.memory_space<vmem>> -> memref<96x128xf32, #tpu.memory_space<vmem>>
      tpu.enqueue_dma source(%dma_start3A_257 : memref<96x128xf32, #tpu.memory_space<vmem>>) target(%dma_start3A_254 : memref<96x128xf32, #tpu.memory_space<vmem_shared>>) target_semaphore(%run_scoped3A_247 : memref<!tpu.dma_semaphore, #tpu.memory_space<semaphore_mem>>)
      %dma_wait3A_258 = arith.constant 0 : i32
      %dma_wait3A_259 = arith.constant 0 : i32
      %dma_wait3A_260 = tpu.memref_slice %arg8[%dma_wait3A_258, %dma_wait3A_259] : memref<96x128xf32, #tpu.memory_space<vmem>> -> memref<96x128xf32, #tpu.memory_space<vmem>>
      %dma_wait3A_261 = arith.constant 0 : i32
      %dma_wait3A_262 = tpu.memref_slice %arg12[%add3A_31, %dma_wait3A_261] : memref<10112x128xf32, #tpu.memory_space<vmem_shared>> -> memref<96x128xf32, #tpu.memory_space<vmem_shared>>
      %dma_wait3A_263 = arith.constant 0 : i32
      %dma_wait3A_264 = tpu.memref_slice %arg12[%add3A_31, %dma_wait3A_263] : memref<10112x128xf32, #tpu.memory_space<vmem_shared>> -> memref<96x128xf32, #tpu.memory_space<vmem_shared>>
      %dma_wait3A_265 = arith.constant 0 : i32
      %dma_wait3A_266 = arith.constant 0 : i32
      %dma_wait3A_267 = tpu.memref_slice %arg8[%dma_wait3A_265, %dma_wait3A_266] : memref<96x128xf32, #tpu.memory_space<vmem>> -> memref<96x128xf32, #tpu.memory_space<vmem>>
      tpu.wait_dma2 semaphore(%run_scoped3A_247 : memref<!tpu.dma_semaphore, #tpu.memory_space<semaphore_mem>>) src(%dma_wait3A_267 : memref<96x128xf32, #tpu.memory_space<vmem>>) dst(%dma_wait3A_264 : memref<96x128xf32, #tpu.memory_space<vmem_shared>>)
      tpu.yield
    }) : () -> ()
    %mul3A_32 = arith.constant 632 : i32
    %mul3A_33 = arith.muli %arg1, %mul3A_32 : i32
    %add3A_34 = arith.constant 288 : i32
    %add3A_35 = arith.addi %mul3A_33, %add3A_34 : i32
    "tpu.region"() ({
      %run_scoped3A_247 = tpu.sem_alloc : memref<!tpu.dma_semaphore, #tpu.memory_space<semaphore_mem>>
      %dma_start3A_248 = arith.constant 0 : i32
      %dma_start3A_249 = arith.constant 0 : i32
      %dma_start3A_250 = tpu.memref_slice %arg8[%dma_start3A_248, %dma_start3A_249] : memref<96x128xf32, #tpu.memory_space<vmem>> -> memref<96x128xf32, #tpu.memory_space<vmem>>
      %dma_start3A_251 = arith.constant 0 : i32
      %dma_start3A_252 = tpu.memref_slice %arg12[%add3A_35, %dma_start3A_251] : memref<10112x128xf32, #tpu.memory_space<vmem_shared>> -> memref<96x128xf32, #tpu.memory_space<vmem_shared>>
      %dma_start3A_253 = arith.constant 0 : i32
      %dma_start3A_254 = tpu.memref_slice %arg12[%add3A_35, %dma_start3A_253] : memref<10112x128xf32, #tpu.memory_space<vmem_shared>> -> memref<96x128xf32, #tpu.memory_space<vmem_shared>>
      %dma_start3A_255 = arith.constant 0 : i32
      %dma_start3A_256 = arith.constant 0 : i32
      %dma_start3A_257 = tpu.memref_slice %arg8[%dma_start3A_255, %dma_start3A_256] : memref<96x128xf32, #tpu.memory_space<vmem>> -> memref<96x128xf32, #tpu.memory_space<vmem>>
      tpu.enqueue_dma source(%dma_start3A_257 : memref<96x128xf32, #tpu.memory_space<vmem>>) target(%dma_start3A_254 : memref<96x128xf32, #tpu.memory_space<vmem_shared>>) target_semaphore(%run_scoped3A_247 : memref<!tpu.dma_semaphore, #tpu.memory_space<semaphore_mem>>)
      %dma_wait3A_258 = arith.constant 0 : i32
      %dma_wait3A_259 = arith.constant 0 : i32
      %dma_wait3A_260 = tpu.memref_slice %arg8[%dma_wait3A_258, %dma_wait3A_259] : memref<96x128xf32, #tpu.memory_space<vmem>> -> memref<96x128xf32, #tpu.memory_space<vmem>>
      %dma_wait3A_261 = arith.constant 0 : i32
      %dma_wait3A_262 = tpu.memref_slice %arg12[%add3A_35, %dma_wait3A_261] : memref<10112x128xf32, #tpu.memory_space<vmem_shared>> -> memref<96x128xf32, #tpu.memory_space<vmem_shared>>
      %dma_wait3A_263 = arith.constant 0 : i32
      %dma_wait3A_264 = tpu.memref_slice %arg12[%add3A_35, %dma_wait3A_263] : memref<10112x128xf32, #tpu.memory_space<vmem_shared>> -> memref<96x128xf32, #tpu.memory_space<vmem_shared>>
      %dma_wait3A_265 = arith.constant 0 : i32
      %dma_wait3A_266 = arith.constant 0 : i32
      %dma_wait3A_267 = tpu.memref_slice %arg8[%dma_wait3A_265, %dma_wait3A_266] : memref<96x128xf32, #tpu.memory_space<vmem>> -> memref<96x128xf32, #tpu.memory_space<vmem>>
      tpu.wait_dma2 semaphore(%run_scoped3A_247 : memref<!tpu.dma_semaphore, #tpu.memory_space<semaphore_mem>>) src(%dma_wait3A_267 : memref<96x128xf32, #tpu.memory_space<vmem>>) dst(%dma_wait3A_264 : memref<96x128xf32, #tpu.memory_space<vmem_shared>>)
      tpu.yield
    }) : () -> ()
    %mul3A_36 = arith.constant 632 : i32
    %mul3A_37 = arith.muli %arg1, %mul3A_36 : i32
    %add3A_38 = arith.constant 384 : i32
    %add3A_39 = arith.addi %mul3A_37, %add3A_38 : i32
    "tpu.region"() ({
      %run_scoped3A_247 = tpu.sem_alloc : memref<!tpu.dma_semaphore, #tpu.memory_space<semaphore_mem>>
      %dma_start3A_248 = arith.constant 0 : i32
      %dma_start3A_249 = arith.constant 0 : i32
      %dma_start3A_250 = tpu.memref_slice %arg8[%dma_start3A_248, %dma_start3A_249] : memref<96x128xf32, #tpu.memory_space<vmem>> -> memref<96x128xf32, #tpu.memory_space<vmem>>
      %dma_start3A_251 = arith.constant 0 : i32
      %dma_start3A_252 = tpu.memref_slice %arg12[%add3A_39, %dma_start3A_251] : memref<10112x128xf32, #tpu.memory_space<vmem_shared>> -> memref<96x128xf32, #tpu.memory_space<vmem_shared>>
      %dma_start3A_253 = arith.constant 0 : i32
      %dma_start3A_254 = tpu.memref_slice %arg12[%add3A_39, %dma_start3A_253] : memref<10112x128xf32, #tpu.memory_space<vmem_shared>> -> memref<96x128xf32, #tpu.memory_space<vmem_shared>>
      %dma_start3A_255 = arith.constant 0 : i32
      %dma_start3A_256 = arith.constant 0 : i32
      %dma_start3A_257 = tpu.memref_slice %arg8[%dma_start3A_255, %dma_start3A_256] : memref<96x128xf32, #tpu.memory_space<vmem>> -> memref<96x128xf32, #tpu.memory_space<vmem>>
      tpu.enqueue_dma source(%dma_start3A_257 : memref<96x128xf32, #tpu.memory_space<vmem>>) target(%dma_start3A_254 : memref<96x128xf32, #tpu.memory_space<vmem_shared>>) target_semaphore(%run_scoped3A_247 : memref<!tpu.dma_semaphore, #tpu.memory_space<semaphore_mem>>)
      %dma_wait3A_258 = arith.constant 0 : i32
      %dma_wait3A_259 = arith.constant 0 : i32
      %dma_wait3A_260 = tpu.memref_slice %arg8[%dma_wait3A_258, %dma_wait3A_259] : memref<96x128xf32, #tpu.memory_space<vmem>> -> memref<96x128xf32, #tpu.memory_space<vmem>>
      %dma_wait3A_261 = arith.constant 0 : i32
      %dma_wait3A_262 = tpu.memref_slice %arg12[%add3A_39, %dma_wait3A_261] : memref<10112x128xf32, #tpu.memory_space<vmem_shared>> -> memref<96x128xf32, #tpu.memory_space<vmem_shared>>
      %dma_wait3A_263 = arith.constant 0 : i32
      %dma_wait3A_264 = tpu.memref_slice %arg12[%add3A_39, %dma_wait3A_263] : memref<10112x128xf32, #tpu.memory_space<vmem_shared>> -> memref<96x128xf32, #tpu.memory_space<vmem_shared>>
      %dma_wait3A_265 = arith.constant 0 : i32
      %dma_wait3A_266 = arith.constant 0 : i32
      %dma_wait3A_267 = tpu.memref_slice %arg8[%dma_wait3A_265, %dma_wait3A_266] : memref<96x128xf32, #tpu.memory_space<vmem>> -> memref<96x128xf32, #tpu.memory_space<vmem>>
      tpu.wait_dma2 semaphore(%run_scoped3A_247 : memref<!tpu.dma_semaphore, #tpu.memory_space<semaphore_mem>>) src(%dma_wait3A_267 : memref<96x128xf32, #tpu.memory_space<vmem>>) dst(%dma_wait3A_264 : memref<96x128xf32, #tpu.memory_space<vmem_shared>>)
      tpu.yield
    }) : () -> ()
    %mul3A_40 = arith.constant 632 : i32
    %mul3A_41 = arith.muli %arg1, %mul3A_40 : i32
    %add3A_42 = arith.constant 480 : i32
    %add3A_43 = arith.addi %mul3A_41, %add3A_42 : i32
    "tpu.region"() ({
      %run_scoped3A_247 = tpu.sem_alloc : memref<!tpu.dma_semaphore, #tpu.memory_space<semaphore_mem>>
      %dma_start3A_248 = arith.constant 0 : i32
      %dma_start3A_249 = arith.constant 0 : i32
      %dma_start3A_250 = tpu.memref_slice %arg8[%dma_start3A_248, %dma_start3A_249] : memref<96x128xf32, #tpu.memory_space<vmem>> -> memref<96x128xf32, #tpu.memory_space<vmem>>
      %dma_start3A_251 = arith.constant 0 : i32
      %dma_start3A_252 = tpu.memref_slice %arg12[%add3A_43, %dma_start3A_251] : memref<10112x128xf32, #tpu.memory_space<vmem_shared>> -> memref<96x128xf32, #tpu.memory_space<vmem_shared>>
      %dma_start3A_253 = arith.constant 0 : i32
      %dma_start3A_254 = tpu.memref_slice %arg12[%add3A_43, %dma_start3A_253] : memref<10112x128xf32, #tpu.memory_space<vmem_shared>> -> memref<96x128xf32, #tpu.memory_space<vmem_shared>>
      %dma_start3A_255 = arith.constant 0 : i32
      %dma_start3A_256 = arith.constant 0 : i32
      %dma_start3A_257 = tpu.memref_slice %arg8[%dma_start3A_255, %dma_start3A_256] : memref<96x128xf32, #tpu.memory_space<vmem>> -> memref<96x128xf32, #tpu.memory_space<vmem>>
      tpu.enqueue_dma source(%dma_start3A_257 : memref<96x128xf32, #tpu.memory_space<vmem>>) target(%dma_start3A_254 : memref<96x128xf32, #tpu.memory_space<vmem_shared>>) target_semaphore(%run_scoped3A_247 : memref<!tpu.dma_semaphore, #tpu.memory_space<semaphore_mem>>)
      %dma_wait3A_258 = arith.constant 0 : i32
      %dma_wait3A_259 = arith.constant 0 : i32
      %dma_wait3A_260 = tpu.memref_slice %arg8[%dma_wait3A_258, %dma_wait3A_259] : memref<96x128xf32, #tpu.memory_space<vmem>> -> memref<96x128xf32, #tpu.memory_space<vmem>>
      %dma_wait3A_261 = arith.constant 0 : i32
      %dma_wait3A_262 = tpu.memref_slice %arg12[%add3A_43, %dma_wait3A_261] : memref<10112x128xf32, #tpu.memory_space<vmem_shared>> -> memref<96x128xf32, #tpu.memory_space<vmem_shared>>
      %dma_wait3A_263 = arith.constant 0 : i32
      %dma_wait3A_264 = tpu.memref_slice %arg12[%add3A_43, %dma_wait3A_263] : memref<10112x128xf32, #tpu.memory_space<vmem_shared>> -> memref<96x128xf32, #tpu.memory_space<vmem_shared>>
      %dma_wait3A_265 = arith.constant 0 : i32
      %dma_wait3A_266 = arith.constant 0 : i32
      %dma_wait3A_267 = tpu.memref_slice %arg8[%dma_wait3A_265, %dma_wait3A_266] : memref<96x128xf32, #tpu.memory_space<vmem>> -> memref<96x128xf32, #tpu.memory_space<vmem>>
      tpu.wait_dma2 semaphore(%run_scoped3A_247 : memref<!tpu.dma_semaphore, #tpu.memory_space<semaphore_mem>>) src(%dma_wait3A_267 : memref<96x128xf32, #tpu.memory_space<vmem>>) dst(%dma_wait3A_264 : memref<96x128xf32, #tpu.memory_space<vmem_shared>>)
      tpu.yield
    }) : () -> ()
    %mul3A_44 = arith.constant 632 : i32
    %mul3A_45 = arith.muli %arg1, %mul3A_44 : i32
    %add3A_46 = arith.constant 576 : i32
    %add3A_47 = arith.addi %mul3A_45, %add3A_46 : i32
    "tpu.region"() ({
      %run_scoped3A_247 = tpu.sem_alloc : memref<!tpu.dma_semaphore, #tpu.memory_space<semaphore_mem>>
      %dma_start3A_248 = arith.constant 0 : i32
      %dma_start3A_249 = arith.constant 0 : i32
      %dma_start3A_250 = tpu.memref_slice %arg8[%dma_start3A_248, %dma_start3A_249] : memref<96x128xf32, #tpu.memory_space<vmem>> -> memref<56x128xf32, #tpu.memory_space<vmem>>
      %dma_start3A_251 = arith.constant 0 : i32
      %dma_start3A_252 = tpu.memref_slice %arg12[%add3A_47, %dma_start3A_251] : memref<10112x128xf32, #tpu.memory_space<vmem_shared>> -> memref<56x128xf32, #tpu.memory_space<vmem_shared>>
      %dma_start3A_253 = arith.constant 0 : i32
      %dma_start3A_254 = tpu.memref_slice %arg12[%add3A_47, %dma_start3A_253] : memref<10112x128xf32, #tpu.memory_space<vmem_shared>> -> memref<56x128xf32, #tpu.memory_space<vmem_shared>>
      %dma_start3A_255 = arith.constant 0 : i32
      %dma_start3A_256 = arith.constant 0 : i32
      %dma_start3A_257 = tpu.memref_slice %arg8[%dma_start3A_255, %dma_start3A_256] : memref<96x128xf32, #tpu.memory_space<vmem>> -> memref<56x128xf32, #tpu.memory_space<vmem>>
      tpu.enqueue_dma source(%dma_start3A_257 : memref<56x128xf32, #tpu.memory_space<vmem>>) target(%dma_start3A_254 : memref<56x128xf32, #tpu.memory_space<vmem_shared>>) target_semaphore(%run_scoped3A_247 : memref<!tpu.dma_semaphore, #tpu.memory_space<semaphore_mem>>)
      %dma_wait3A_258 = arith.constant 0 : i32
      %dma_wait3A_259 = arith.constant 0 : i32
      %dma_wait3A_260 = tpu.memref_slice %arg8[%dma_wait3A_258, %dma_wait3A_259] : memref<96x128xf32, #tpu.memory_space<vmem>> -> memref<56x128xf32, #tpu.memory_space<vmem>>
      %dma_wait3A_261 = arith.constant 0 : i32
      %dma_wait3A_262 = tpu.memref_slice %arg12[%add3A_47, %dma_wait3A_261] : memref<10112x128xf32, #tpu.memory_space<vmem_shared>> -> memref<56x128xf32, #tpu.memory_space<vmem_shared>>
      %dma_wait3A_263 = arith.constant 0 : i32
      %dma_wait3A_264 = tpu.memref_slice %arg12[%add3A_47, %dma_wait3A_263] : memref<10112x128xf32, #tpu.memory_space<vmem_shared>> -> memref<56x128xf32, #tpu.memory_space<vmem_shared>>
      %dma_wait3A_265 = arith.constant 0 : i32
      %dma_wait3A_266 = arith.constant 0 : i32
      %dma_wait3A_267 = tpu.memref_slice %arg8[%dma_wait3A_265, %dma_wait3A_266] : memref<96x128xf32, #tpu.memory_space<vmem>> -> memref<56x128xf32, #tpu.memory_space<vmem>>
      tpu.wait_dma2 semaphore(%run_scoped3A_247 : memref<!tpu.dma_semaphore, #tpu.memory_space<semaphore_mem>>) src(%dma_wait3A_267 : memref<56x128xf32, #tpu.memory_space<vmem>>) dst(%dma_wait3A_264 : memref<56x128xf32, #tpu.memory_space<vmem_shared>>)
      tpu.yield
    }) : () -> ()
    %mul3A_48 = arith.constant 22528 : i32
    %mul3A_49 = arith.muli %arg1, %mul3A_48 : i32
    %add3A_50 = arith.constant 0 : i32
    %add3A_51 = arith.addi %mul3A_49, %add3A_50 : i32
    "tpu.region"() ({
      %run_scoped3A_247 = tpu.sem_alloc : memref<!tpu.dma_semaphore, #tpu.memory_space<semaphore_mem>>
      %dma_start3A_248 = arith.constant 0 : i32
      %dma_start3A_249 = tpu.memref_slice %arg11[%dma_start3A_248] : memref<1024xf32, #tpu.memory_space<vmem>> -> memref<1024xf32, #tpu.memory_space<vmem>>
      %dma_start3A_250 = tpu.memref_slice %arg13[%add3A_51] : memref<360448xf32, #tpu.memory_space<vmem_shared>> -> memref<1024xf32, #tpu.memory_space<vmem_shared>>
      %dma_start3A_251 = tpu.memref_slice %arg13[%add3A_51] : memref<360448xf32, #tpu.memory_space<vmem_shared>> -> memref<1024xf32, #tpu.memory_space<vmem_shared>>
      %dma_start3A_252 = arith.constant 0 : i32
      %dma_start3A_253 = tpu.memref_slice %arg11[%dma_start3A_252] : memref<1024xf32, #tpu.memory_space<vmem>> -> memref<1024xf32, #tpu.memory_space<vmem>>
      tpu.enqueue_dma source(%dma_start3A_253 : memref<1024xf32, #tpu.memory_space<vmem>>) target(%dma_start3A_251 : memref<1024xf32, #tpu.memory_space<vmem_shared>>) target_semaphore(%run_scoped3A_247 : memref<!tpu.dma_semaphore, #tpu.memory_space<semaphore_mem>>)
      %dma_wait3A_254 = arith.constant 0 : i32
      %dma_wait3A_255 = tpu.memref_slice %arg11[%dma_wait3A_254] : memref<1024xf32, #tpu.memory_space<vmem>> -> memref<1024xf32, #tpu.memory_space<vmem>>
      %dma_wait3A_256 = tpu.memref_slice %arg13[%add3A_51] : memref<360448xf32, #tpu.memory_space<vmem_shared>> -> memref<1024xf32, #tpu.memory_space<vmem_shared>>
      %dma_wait3A_257 = tpu.memref_slice %arg13[%add3A_51] : memref<360448xf32, #tpu.memory_space<vmem_shared>> -> memref<1024xf32, #tpu.memory_space<vmem_shared>>
      %dma_wait3A_258 = arith.constant 0 : i32
      %dma_wait3A_259 = tpu.memref_slice %arg11[%dma_wait3A_258] : memref<1024xf32, #tpu.memory_space<vmem>> -> memref<1024xf32, #tpu.memory_space<vmem>>
      tpu.wait_dma2 semaphore(%run_scoped3A_247 : memref<!tpu.dma_semaphore, #tpu.memory_space<semaphore_mem>>) src(%dma_wait3A_259 : memref<1024xf32, #tpu.memory_space<vmem>>) dst(%dma_wait3A_257 : memref<1024xf32, #tpu.memory_space<vmem_shared>>)
      tpu.yield
    }) : () -> ()
    %mul3A_52 = arith.constant 22528 : i32
    %mul3A_53 = arith.muli %arg1, %mul3A_52 : i32
    %add3A_54 = arith.constant 1024 : i32
    %add3A_55 = arith.addi %mul3A_53, %add3A_54 : i32
    "tpu.region"() ({
      %run_scoped3A_247 = tpu.sem_alloc : memref<!tpu.dma_semaphore, #tpu.memory_space<semaphore_mem>>
      %dma_start3A_248 = arith.constant 0 : i32
      %dma_start3A_249 = tpu.memref_slice %arg11[%dma_start3A_248] : memref<1024xf32, #tpu.memory_space<vmem>> -> memref<1024xf32, #tpu.memory_space<vmem>>
      %dma_start3A_250 = tpu.memref_slice %arg13[%add3A_55] : memref<360448xf32, #tpu.memory_space<vmem_shared>> -> memref<1024xf32, #tpu.memory_space<vmem_shared>>
      %dma_start3A_251 = tpu.memref_slice %arg13[%add3A_55] : memref<360448xf32, #tpu.memory_space<vmem_shared>> -> memref<1024xf32, #tpu.memory_space<vmem_shared>>
      %dma_start3A_252 = arith.constant 0 : i32
      %dma_start3A_253 = tpu.memref_slice %arg11[%dma_start3A_252] : memref<1024xf32, #tpu.memory_space<vmem>> -> memref<1024xf32, #tpu.memory_space<vmem>>
      tpu.enqueue_dma source(%dma_start3A_253 : memref<1024xf32, #tpu.memory_space<vmem>>) target(%dma_start3A_251 : memref<1024xf32, #tpu.memory_space<vmem_shared>>) target_semaphore(%run_scoped3A_247 : memref<!tpu.dma_semaphore, #tpu.memory_space<semaphore_mem>>)
      %dma_wait3A_254 = arith.constant 0 : i32
      %dma_wait3A_255 = tpu.memref_slice %arg11[%dma_wait3A_254] : memref<1024xf32, #tpu.memory_space<vmem>> -> memref<1024xf32, #tpu.memory_space<vmem>>
      %dma_wait3A_256 = tpu.memref_slice %arg13[%add3A_55] : memref<360448xf32, #tpu.memory_space<vmem_shared>> -> memref<1024xf32, #tpu.memory_space<vmem_shared>>
      %dma_wait3A_257 = tpu.memref_slice %arg13[%add3A_55] : memref<360448xf32, #tpu.memory_space<vmem_shared>> -> memref<1024xf32, #tpu.memory_space<vmem_shared>>
      %dma_wait3A_258 = arith.constant 0 : i32
      %dma_wait3A_259 = tpu.memref_slice %arg11[%dma_wait3A_258] : memref<1024xf32, #tpu.memory_space<vmem>> -> memref<1024xf32, #tpu.memory_space<vmem>>
      tpu.wait_dma2 semaphore(%run_scoped3A_247 : memref<!tpu.dma_semaphore, #tpu.memory_space<semaphore_mem>>) src(%dma_wait3A_259 : memref<1024xf32, #tpu.memory_space<vmem>>) dst(%dma_wait3A_257 : memref<1024xf32, #tpu.memory_space<vmem_shared>>)
      tpu.yield
    }) : () -> ()
    %mul3A_56 = arith.constant 22528 : i32
    %mul3A_57 = arith.muli %arg1, %mul3A_56 : i32
    %add3A_58 = arith.constant 2048 : i32
    %add3A_59 = arith.addi %mul3A_57, %add3A_58 : i32
    "tpu.region"() ({
      %run_scoped3A_247 = tpu.sem_alloc : memref<!tpu.dma_semaphore, #tpu.memory_space<semaphore_mem>>
      %dma_start3A_248 = arith.constant 0 : i32
      %dma_start3A_249 = tpu.memref_slice %arg11[%dma_start3A_248] : memref<1024xf32, #tpu.memory_space<vmem>> -> memref<1024xf32, #tpu.memory_space<vmem>>
      %dma_start3A_250 = tpu.memref_slice %arg13[%add3A_59] : memref<360448xf32, #tpu.memory_space<vmem_shared>> -> memref<1024xf32, #tpu.memory_space<vmem_shared>>
      %dma_start3A_251 = tpu.memref_slice %arg13[%add3A_59] : memref<360448xf32, #tpu.memory_space<vmem_shared>> -> memref<1024xf32, #tpu.memory_space<vmem_shared>>
      %dma_start3A_252 = arith.constant 0 : i32
      %dma_start3A_253 = tpu.memref_slice %arg11[%dma_start3A_252] : memref<1024xf32, #tpu.memory_space<vmem>> -> memref<1024xf32, #tpu.memory_space<vmem>>
      tpu.enqueue_dma source(%dma_start3A_253 : memref<1024xf32, #tpu.memory_space<vmem>>) target(%dma_start3A_251 : memref<1024xf32, #tpu.memory_space<vmem_shared>>) target_semaphore(%run_scoped3A_247 : memref<!tpu.dma_semaphore, #tpu.memory_space<semaphore_mem>>)
      %dma_wait3A_254 = arith.constant 0 : i32
      %dma_wait3A_255 = tpu.memref_slice %arg11[%dma_wait3A_254] : memref<1024xf32, #tpu.memory_space<vmem>> -> memref<1024xf32, #tpu.memory_space<vmem>>
      %dma_wait3A_256 = tpu.memref_slice %arg13[%add3A_59] : memref<360448xf32, #tpu.memory_space<vmem_shared>> -> memref<1024xf32, #tpu.memory_space<vmem_shared>>
      %dma_wait3A_257 = tpu.memref_slice %arg13[%add3A_59] : memref<360448xf32, #tpu.memory_space<vmem_shared>> -> memref<1024xf32, #tpu.memory_space<vmem_shared>>
      %dma_wait3A_258 = arith.constant 0 : i32
      %dma_wait3A_259 = tpu.memref_slice %arg11[%dma_wait3A_258] : memref<1024xf32, #tpu.memory_space<vmem>> -> memref<1024xf32, #tpu.memory_space<vmem>>
      tpu.wait_dma2 semaphore(%run_scoped3A_247 : memref<!tpu.dma_semaphore, #tpu.memory_space<semaphore_mem>>) src(%dma_wait3A_259 : memref<1024xf32, #tpu.memory_space<vmem>>) dst(%dma_wait3A_257 : memref<1024xf32, #tpu.memory_space<vmem_shared>>)
      tpu.yield
    }) : () -> ()
    %mul3A_60 = arith.constant 22528 : i32
    %mul3A_61 = arith.muli %arg1, %mul3A_60 : i32
    %add3A_62 = arith.constant 3072 : i32
    %add3A_63 = arith.addi %mul3A_61, %add3A_62 : i32
    "tpu.region"() ({
      %run_scoped3A_247 = tpu.sem_alloc : memref<!tpu.dma_semaphore, #tpu.memory_space<semaphore_mem>>
      %dma_start3A_248 = arith.constant 0 : i32
      %dma_start3A_249 = tpu.memref_slice %arg11[%dma_start3A_248] : memref<1024xf32, #tpu.memory_space<vmem>> -> memref<1024xf32, #tpu.memory_space<vmem>>
      %dma_start3A_250 = tpu.memref_slice %arg13[%add3A_63] : memref<360448xf32, #tpu.memory_space<vmem_shared>> -> memref<1024xf32, #tpu.memory_space<vmem_shared>>
      %dma_start3A_251 = tpu.memref_slice %arg13[%add3A_63] : memref<360448xf32, #tpu.memory_space<vmem_shared>> -> memref<1024xf32, #tpu.memory_space<vmem_shared>>
      %dma_start3A_252 = arith.constant 0 : i32
      %dma_start3A_253 = tpu.memref_slice %arg11[%dma_start3A_252] : memref<1024xf32, #tpu.memory_space<vmem>> -> memref<1024xf32, #tpu.memory_space<vmem>>
      tpu.enqueue_dma source(%dma_start3A_253 : memref<1024xf32, #tpu.memory_space<vmem>>) target(%dma_start3A_251 : memref<1024xf32, #tpu.memory_space<vmem_shared>>) target_semaphore(%run_scoped3A_247 : memref<!tpu.dma_semaphore, #tpu.memory_space<semaphore_mem>>)
      %dma_wait3A_254 = arith.constant 0 : i32
      %dma_wait3A_255 = tpu.memref_slice %arg11[%dma_wait3A_254] : memref<1024xf32, #tpu.memory_space<vmem>> -> memref<1024xf32, #tpu.memory_space<vmem>>
      %dma_wait3A_256 = tpu.memref_slice %arg13[%add3A_63] : memref<360448xf32, #tpu.memory_space<vmem_shared>> -> memref<1024xf32, #tpu.memory_space<vmem_shared>>
      %dma_wait3A_257 = tpu.memref_slice %arg13[%add3A_63] : memref<360448xf32, #tpu.memory_space<vmem_shared>> -> memref<1024xf32, #tpu.memory_space<vmem_shared>>
      %dma_wait3A_258 = arith.constant 0 : i32
      %dma_wait3A_259 = tpu.memref_slice %arg11[%dma_wait3A_258] : memref<1024xf32, #tpu.memory_space<vmem>> -> memref<1024xf32, #tpu.memory_space<vmem>>
      tpu.wait_dma2 semaphore(%run_scoped3A_247 : memref<!tpu.dma_semaphore, #tpu.memory_space<semaphore_mem>>) src(%dma_wait3A_259 : memref<1024xf32, #tpu.memory_space<vmem>>) dst(%dma_wait3A_257 : memref<1024xf32, #tpu.memory_space<vmem_shared>>)
      tpu.yield
    }) : () -> ()
    %mul3A_64 = arith.constant 22528 : i32
    %mul3A_65 = arith.muli %arg1, %mul3A_64 : i32
    %add3A_66 = arith.constant 4096 : i32
    %add3A_67 = arith.addi %mul3A_65, %add3A_66 : i32
    "tpu.region"() ({
      %run_scoped3A_247 = tpu.sem_alloc : memref<!tpu.dma_semaphore, #tpu.memory_space<semaphore_mem>>
      %dma_start3A_248 = arith.constant 0 : i32
      %dma_start3A_249 = tpu.memref_slice %arg11[%dma_start3A_248] : memref<1024xf32, #tpu.memory_space<vmem>> -> memref<1024xf32, #tpu.memory_space<vmem>>
      %dma_start3A_250 = tpu.memref_slice %arg13[%add3A_67] : memref<360448xf32, #tpu.memory_space<vmem_shared>> -> memref<1024xf32, #tpu.memory_space<vmem_shared>>
      %dma_start3A_251 = tpu.memref_slice %arg13[%add3A_67] : memref<360448xf32, #tpu.memory_space<vmem_shared>> -> memref<1024xf32, #tpu.memory_space<vmem_shared>>
      %dma_start3A_252 = arith.constant 0 : i32
      %dma_start3A_253 = tpu.memref_slice %arg11[%dma_start3A_252] : memref<1024xf32, #tpu.memory_space<vmem>> -> memref<1024xf32, #tpu.memory_space<vmem>>
      tpu.enqueue_dma source(%dma_start3A_253 : memref<1024xf32, #tpu.memory_space<vmem>>) target(%dma_start3A_251 : memref<1024xf32, #tpu.memory_space<vmem_shared>>) target_semaphore(%run_scoped3A_247 : memref<!tpu.dma_semaphore, #tpu.memory_space<semaphore_mem>>)
      %dma_wait3A_254 = arith.constant 0 : i32
      %dma_wait3A_255 = tpu.memref_slice %arg11[%dma_wait3A_254] : memref<1024xf32, #tpu.memory_space<vmem>> -> memref<1024xf32, #tpu.memory_space<vmem>>
      %dma_wait3A_256 = tpu.memref_slice %arg13[%add3A_67] : memref<360448xf32, #tpu.memory_space<vmem_shared>> -> memref<1024xf32, #tpu.memory_space<vmem_shared>>
      %dma_wait3A_257 = tpu.memref_slice %arg13[%add3A_67] : memref<360448xf32, #tpu.memory_space<vmem_shared>> -> memref<1024xf32, #tpu.memory_space<vmem_shared>>
      %dma_wait3A_258 = arith.constant 0 : i32
      %dma_wait3A_259 = tpu.memref_slice %arg11[%dma_wait3A_258] : memref<1024xf32, #tpu.memory_space<vmem>> -> memref<1024xf32, #tpu.memory_space<vmem>>
      tpu.wait_dma2 semaphore(%run_scoped3A_247 : memref<!tpu.dma_semaphore, #tpu.memory_space<semaphore_mem>>) src(%dma_wait3A_259 : memref<1024xf32, #tpu.memory_space<vmem>>) dst(%dma_wait3A_257 : memref<1024xf32, #tpu.memory_space<vmem_shared>>)
      tpu.yield
    }) : () -> ()
    %mul3A_68 = arith.constant 22528 : i32
    %mul3A_69 = arith.muli %arg1, %mul3A_68 : i32
    %add3A_70 = arith.constant 5120 : i32
    %add3A_71 = arith.addi %mul3A_69, %add3A_70 : i32
    "tpu.region"() ({
      %run_scoped3A_247 = tpu.sem_alloc : memref<!tpu.dma_semaphore, #tpu.memory_space<semaphore_mem>>
      %dma_start3A_248 = arith.constant 0 : i32
      %dma_start3A_249 = tpu.memref_slice %arg11[%dma_start3A_248] : memref<1024xf32, #tpu.memory_space<vmem>> -> memref<1024xf32, #tpu.memory_space<vmem>>
      %dma_start3A_250 = tpu.memref_slice %arg13[%add3A_71] : memref<360448xf32, #tpu.memory_space<vmem_shared>> -> memref<1024xf32, #tpu.memory_space<vmem_shared>>
      %dma_start3A_251 = tpu.memref_slice %arg13[%add3A_71] : memref<360448xf32, #tpu.memory_space<vmem_shared>> -> memref<1024xf32, #tpu.memory_space<vmem_shared>>
      %dma_start3A_252 = arith.constant 0 : i32
      %dma_start3A_253 = tpu.memref_slice %arg11[%dma_start3A_252] : memref<1024xf32, #tpu.memory_space<vmem>> -> memref<1024xf32, #tpu.memory_space<vmem>>
      tpu.enqueue_dma source(%dma_start3A_253 : memref<1024xf32, #tpu.memory_space<vmem>>) target(%dma_start3A_251 : memref<1024xf32, #tpu.memory_space<vmem_shared>>) target_semaphore(%run_scoped3A_247 : memref<!tpu.dma_semaphore, #tpu.memory_space<semaphore_mem>>)
      %dma_wait3A_254 = arith.constant 0 : i32
      %dma_wait3A_255 = tpu.memref_slice %arg11[%dma_wait3A_254] : memref<1024xf32, #tpu.memory_space<vmem>> -> memref<1024xf32, #tpu.memory_space<vmem>>
      %dma_wait3A_256 = tpu.memref_slice %arg13[%add3A_71] : memref<360448xf32, #tpu.memory_space<vmem_shared>> -> memref<1024xf32, #tpu.memory_space<vmem_shared>>
      %dma_wait3A_257 = tpu.memref_slice %arg13[%add3A_71] : memref<360448xf32, #tpu.memory_space<vmem_shared>> -> memref<1024xf32, #tpu.memory_space<vmem_shared>>
      %dma_wait3A_258 = arith.constant 0 : i32
      %dma_wait3A_259 = tpu.memref_slice %arg11[%dma_wait3A_258] : memref<1024xf32, #tpu.memory_space<vmem>> -> memref<1024xf32, #tpu.memory_space<vmem>>
      tpu.wait_dma2 semaphore(%run_scoped3A_247 : memref<!tpu.dma_semaphore, #tpu.memory_space<semaphore_mem>>) src(%dma_wait3A_259 : memref<1024xf32, #tpu.memory_space<vmem>>) dst(%dma_wait3A_257 : memref<1024xf32, #tpu.memory_space<vmem_shared>>)
      tpu.yield
    }) : () -> ()
    %mul3A_72 = arith.constant 22528 : i32
    %mul3A_73 = arith.muli %arg1, %mul3A_72 : i32
    %add3A_74 = arith.constant 6144 : i32
    %add3A_75 = arith.addi %mul3A_73, %add3A_74 : i32
    "tpu.region"() ({
      %run_scoped3A_247 = tpu.sem_alloc : memref<!tpu.dma_semaphore, #tpu.memory_space<semaphore_mem>>
      %dma_start3A_248 = arith.constant 0 : i32
      %dma_start3A_249 = tpu.memref_slice %arg11[%dma_start3A_248] : memref<1024xf32, #tpu.memory_space<vmem>> -> memref<1024xf32, #tpu.memory_space<vmem>>
      %dma_start3A_250 = tpu.memref_slice %arg13[%add3A_75] : memref<360448xf32, #tpu.memory_space<vmem_shared>> -> memref<1024xf32, #tpu.memory_space<vmem_shared>>
      %dma_start3A_251 = tpu.memref_slice %arg13[%add3A_75] : memref<360448xf32, #tpu.memory_space<vmem_shared>> -> memref<1024xf32, #tpu.memory_space<vmem_shared>>
      %dma_start3A_252 = arith.constant 0 : i32
      %dma_start3A_253 = tpu.memref_slice %arg11[%dma_start3A_252] : memref<1024xf32, #tpu.memory_space<vmem>> -> memref<1024xf32, #tpu.memory_space<vmem>>
      tpu.enqueue_dma source(%dma_start3A_253 : memref<1024xf32, #tpu.memory_space<vmem>>) target(%dma_start3A_251 : memref<1024xf32, #tpu.memory_space<vmem_shared>>) target_semaphore(%run_scoped3A_247 : memref<!tpu.dma_semaphore, #tpu.memory_space<semaphore_mem>>)
      %dma_wait3A_254 = arith.constant 0 : i32
      %dma_wait3A_255 = tpu.memref_slice %arg11[%dma_wait3A_254] : memref<1024xf32, #tpu.memory_space<vmem>> -> memref<1024xf32, #tpu.memory_space<vmem>>
      %dma_wait3A_256 = tpu.memref_slice %arg13[%add3A_75] : memref<360448xf32, #tpu.memory_space<vmem_shared>> -> memref<1024xf32, #tpu.memory_space<vmem_shared>>
      %dma_wait3A_257 = tpu.memref_slice %arg13[%add3A_75] : memref<360448xf32, #tpu.memory_space<vmem_shared>> -> memref<1024xf32, #tpu.memory_space<vmem_shared>>
      %dma_wait3A_258 = arith.constant 0 : i32
      %dma_wait3A_259 = tpu.memref_slice %arg11[%dma_wait3A_258] : memref<1024xf32, #tpu.memory_space<vmem>> -> memref<1024xf32, #tpu.memory_space<vmem>>
      tpu.wait_dma2 semaphore(%run_scoped3A_247 : memref<!tpu.dma_semaphore, #tpu.memory_space<semaphore_mem>>) src(%dma_wait3A_259 : memref<1024xf32, #tpu.memory_space<vmem>>) dst(%dma_wait3A_257 : memref<1024xf32, #tpu.memory_space<vmem_shared>>)
      tpu.yield
    }) : () -> ()
    %mul3A_76 = arith.constant 22528 : i32
    %mul3A_77 = arith.muli %arg1, %mul3A_76 : i32
    %add3A_78 = arith.constant 7168 : i32
    %add3A_79 = arith.addi %mul3A_77, %add3A_78 : i32
    "tpu.region"() ({
      %run_scoped3A_247 = tpu.sem_alloc : memref<!tpu.dma_semaphore, #tpu.memory_space<semaphore_mem>>
      %dma_start3A_248 = arith.constant 0 : i32
      %dma_start3A_249 = tpu.memref_slice %arg11[%dma_start3A_248] : memref<1024xf32, #tpu.memory_space<vmem>> -> memref<1024xf32, #tpu.memory_space<vmem>>
      %dma_start3A_250 = tpu.memref_slice %arg13[%add3A_79] : memref<360448xf32, #tpu.memory_space<vmem_shared>> -> memref<1024xf32, #tpu.memory_space<vmem_shared>>
      %dma_start3A_251 = tpu.memref_slice %arg13[%add3A_79] : memref<360448xf32, #tpu.memory_space<vmem_shared>> -> memref<1024xf32, #tpu.memory_space<vmem_shared>>
      %dma_start3A_252 = arith.constant 0 : i32
      %dma_start3A_253 = tpu.memref_slice %arg11[%dma_start3A_252] : memref<1024xf32, #tpu.memory_space<vmem>> -> memref<1024xf32, #tpu.memory_space<vmem>>
      tpu.enqueue_dma source(%dma_start3A_253 : memref<1024xf32, #tpu.memory_space<vmem>>) target(%dma_start3A_251 : memref<1024xf32, #tpu.memory_space<vmem_shared>>) target_semaphore(%run_scoped3A_247 : memref<!tpu.dma_semaphore, #tpu.memory_space<semaphore_mem>>)
      %dma_wait3A_254 = arith.constant 0 : i32
      %dma_wait3A_255 = tpu.memref_slice %arg11[%dma_wait3A_254] : memref<1024xf32, #tpu.memory_space<vmem>> -> memref<1024xf32, #tpu.memory_space<vmem>>
      %dma_wait3A_256 = tpu.memref_slice %arg13[%add3A_79] : memref<360448xf32, #tpu.memory_space<vmem_shared>> -> memref<1024xf32, #tpu.memory_space<vmem_shared>>
      %dma_wait3A_257 = tpu.memref_slice %arg13[%add3A_79] : memref<360448xf32, #tpu.memory_space<vmem_shared>> -> memref<1024xf32, #tpu.memory_space<vmem_shared>>
      %dma_wait3A_258 = arith.constant 0 : i32
      %dma_wait3A_259 = tpu.memref_slice %arg11[%dma_wait3A_258] : memref<1024xf32, #tpu.memory_space<vmem>> -> memref<1024xf32, #tpu.memory_space<vmem>>
      tpu.wait_dma2 semaphore(%run_scoped3A_247 : memref<!tpu.dma_semaphore, #tpu.memory_space<semaphore_mem>>) src(%dma_wait3A_259 : memref<1024xf32, #tpu.memory_space<vmem>>) dst(%dma_wait3A_257 : memref<1024xf32, #tpu.memory_space<vmem_shared>>)
      tpu.yield
    }) : () -> ()
    %mul3A_80 = arith.constant 22528 : i32
    %mul3A_81 = arith.muli %arg1, %mul3A_80 : i32
    %add3A_82 = arith.constant 8192 : i32
    %add3A_83 = arith.addi %mul3A_81, %add3A_82 : i32
    "tpu.region"() ({
      %run_scoped3A_247 = tpu.sem_alloc : memref<!tpu.dma_semaphore, #tpu.memory_space<semaphore_mem>>
      %dma_start3A_248 = arith.constant 0 : i32
      %dma_start3A_249 = tpu.memref_slice %arg11[%dma_start3A_248] : memref<1024xf32, #tpu.memory_space<vmem>> -> memref<1024xf32, #tpu.memory_space<vmem>>
      %dma_start3A_250 = tpu.memref_slice %arg13[%add3A_83] : memref<360448xf32, #tpu.memory_space<vmem_shared>> -> memref<1024xf32, #tpu.memory_space<vmem_shared>>
      %dma_start3A_251 = tpu.memref_slice %arg13[%add3A_83] : memref<360448xf32, #tpu.memory_space<vmem_shared>> -> memref<1024xf32, #tpu.memory_space<vmem_shared>>
      %dma_start3A_252 = arith.constant 0 : i32
      %dma_start3A_253 = tpu.memref_slice %arg11[%dma_start3A_252] : memref<1024xf32, #tpu.memory_space<vmem>> -> memref<1024xf32, #tpu.memory_space<vmem>>
      tpu.enqueue_dma source(%dma_start3A_253 : memref<1024xf32, #tpu.memory_space<vmem>>) target(%dma_start3A_251 : memref<1024xf32, #tpu.memory_space<vmem_shared>>) target_semaphore(%run_scoped3A_247 : memref<!tpu.dma_semaphore, #tpu.memory_space<semaphore_mem>>)
      %dma_wait3A_254 = arith.constant 0 : i32
      %dma_wait3A_255 = tpu.memref_slice %arg11[%dma_wait3A_254] : memref<1024xf32, #tpu.memory_space<vmem>> -> memref<1024xf32, #tpu.memory_space<vmem>>
      %dma_wait3A_256 = tpu.memref_slice %arg13[%add3A_83] : memref<360448xf32, #tpu.memory_space<vmem_shared>> -> memref<1024xf32, #tpu.memory_space<vmem_shared>>
      %dma_wait3A_257 = tpu.memref_slice %arg13[%add3A_83] : memref<360448xf32, #tpu.memory_space<vmem_shared>> -> memref<1024xf32, #tpu.memory_space<vmem_shared>>
      %dma_wait3A_258 = arith.constant 0 : i32
      %dma_wait3A_259 = tpu.memref_slice %arg11[%dma_wait3A_258] : memref<1024xf32, #tpu.memory_space<vmem>> -> memref<1024xf32, #tpu.memory_space<vmem>>
      tpu.wait_dma2 semaphore(%run_scoped3A_247 : memref<!tpu.dma_semaphore, #tpu.memory_space<semaphore_mem>>) src(%dma_wait3A_259 : memref<1024xf32, #tpu.memory_space<vmem>>) dst(%dma_wait3A_257 : memref<1024xf32, #tpu.memory_space<vmem_shared>>)
      tpu.yield
    }) : () -> ()
    %mul3A_84 = arith.constant 22528 : i32
    %mul3A_85 = arith.muli %arg1, %mul3A_84 : i32
    %add3A_86 = arith.constant 9216 : i32
    %add3A_87 = arith.addi %mul3A_85, %add3A_86 : i32
    "tpu.region"() ({
      %run_scoped3A_247 = tpu.sem_alloc : memref<!tpu.dma_semaphore, #tpu.memory_space<semaphore_mem>>
      %dma_start3A_248 = arith.constant 0 : i32
      %dma_start3A_249 = tpu.memref_slice %arg11[%dma_start3A_248] : memref<1024xf32, #tpu.memory_space<vmem>> -> memref<1024xf32, #tpu.memory_space<vmem>>
      %dma_start3A_250 = tpu.memref_slice %arg13[%add3A_87] : memref<360448xf32, #tpu.memory_space<vmem_shared>> -> memref<1024xf32, #tpu.memory_space<vmem_shared>>
      %dma_start3A_251 = tpu.memref_slice %arg13[%add3A_87] : memref<360448xf32, #tpu.memory_space<vmem_shared>> -> memref<1024xf32, #tpu.memory_space<vmem_shared>>
      %dma_start3A_252 = arith.constant 0 : i32
      %dma_start3A_253 = tpu.memref_slice %arg11[%dma_start3A_252] : memref<1024xf32, #tpu.memory_space<vmem>> -> memref<1024xf32, #tpu.memory_space<vmem>>
      tpu.enqueue_dma source(%dma_start3A_253 : memref<1024xf32, #tpu.memory_space<vmem>>) target(%dma_start3A_251 : memref<1024xf32, #tpu.memory_space<vmem_shared>>) target_semaphore(%run_scoped3A_247 : memref<!tpu.dma_semaphore, #tpu.memory_space<semaphore_mem>>)
      %dma_wait3A_254 = arith.constant 0 : i32
      %dma_wait3A_255 = tpu.memref_slice %arg11[%dma_wait3A_254] : memref<1024xf32, #tpu.memory_space<vmem>> -> memref<1024xf32, #tpu.memory_space<vmem>>
      %dma_wait3A_256 = tpu.memref_slice %arg13[%add3A_87] : memref<360448xf32, #tpu.memory_space<vmem_shared>> -> memref<1024xf32, #tpu.memory_space<vmem_shared>>
      %dma_wait3A_257 = tpu.memref_slice %arg13[%add3A_87] : memref<360448xf32, #tpu.memory_space<vmem_shared>> -> memref<1024xf32, #tpu.memory_space<vmem_shared>>
      %dma_wait3A_258 = arith.constant 0 : i32
      %dma_wait3A_259 = tpu.memref_slice %arg11[%dma_wait3A_258] : memref<1024xf32, #tpu.memory_space<vmem>> -> memref<1024xf32, #tpu.memory_space<vmem>>
      tpu.wait_dma2 semaphore(%run_scoped3A_247 : memref<!tpu.dma_semaphore, #tpu.memory_space<semaphore_mem>>) src(%dma_wait3A_259 : memref<1024xf32, #tpu.memory_space<vmem>>) dst(%dma_wait3A_257 : memref<1024xf32, #tpu.memory_space<vmem_shared>>)
      tpu.yield
    }) : () -> ()
    %mul3A_88 = arith.constant 22528 : i32
    %mul3A_89 = arith.muli %arg1, %mul3A_88 : i32
    %add3A_90 = arith.constant 10240 : i32
    %add3A_91 = arith.addi %mul3A_89, %add3A_90 : i32
    "tpu.region"() ({
      %run_scoped3A_247 = tpu.sem_alloc : memref<!tpu.dma_semaphore, #tpu.memory_space<semaphore_mem>>
      %dma_start3A_248 = arith.constant 0 : i32
      %dma_start3A_249 = tpu.memref_slice %arg11[%dma_start3A_248] : memref<1024xf32, #tpu.memory_space<vmem>> -> memref<1024xf32, #tpu.memory_space<vmem>>
      %dma_start3A_250 = tpu.memref_slice %arg13[%add3A_91] : memref<360448xf32, #tpu.memory_space<vmem_shared>> -> memref<1024xf32, #tpu.memory_space<vmem_shared>>
      %dma_start3A_251 = tpu.memref_slice %arg13[%add3A_91] : memref<360448xf32, #tpu.memory_space<vmem_shared>> -> memref<1024xf32, #tpu.memory_space<vmem_shared>>
      %dma_start3A_252 = arith.constant 0 : i32
      %dma_start3A_253 = tpu.memref_slice %arg11[%dma_start3A_252] : memref<1024xf32, #tpu.memory_space<vmem>> -> memref<1024xf32, #tpu.memory_space<vmem>>
      tpu.enqueue_dma source(%dma_start3A_253 : memref<1024xf32, #tpu.memory_space<vmem>>) target(%dma_start3A_251 : memref<1024xf32, #tpu.memory_space<vmem_shared>>) target_semaphore(%run_scoped3A_247 : memref<!tpu.dma_semaphore, #tpu.memory_space<semaphore_mem>>)
      %dma_wait3A_254 = arith.constant 0 : i32
      %dma_wait3A_255 = tpu.memref_slice %arg11[%dma_wait3A_254] : memref<1024xf32, #tpu.memory_space<vmem>> -> memref<1024xf32, #tpu.memory_space<vmem>>
      %dma_wait3A_256 = tpu.memref_slice %arg13[%add3A_91] : memref<360448xf32, #tpu.memory_space<vmem_shared>> -> memref<1024xf32, #tpu.memory_space<vmem_shared>>
      %dma_wait3A_257 = tpu.memref_slice %arg13[%add3A_91] : memref<360448xf32, #tpu.memory_space<vmem_shared>> -> memref<1024xf32, #tpu.memory_space<vmem_shared>>
      %dma_wait3A_258 = arith.constant 0 : i32
      %dma_wait3A_259 = tpu.memref_slice %arg11[%dma_wait3A_258] : memref<1024xf32, #tpu.memory_space<vmem>> -> memref<1024xf32, #tpu.memory_space<vmem>>
      tpu.wait_dma2 semaphore(%run_scoped3A_247 : memref<!tpu.dma_semaphore, #tpu.memory_space<semaphore_mem>>) src(%dma_wait3A_259 : memref<1024xf32, #tpu.memory_space<vmem>>) dst(%dma_wait3A_257 : memref<1024xf32, #tpu.memory_space<vmem_shared>>)
      tpu.yield
    }) : () -> ()
    %mul3A_92 = arith.constant 22528 : i32
    %mul3A_93 = arith.muli %arg1, %mul3A_92 : i32
    %add3A_94 = arith.constant 11264 : i32
    %add3A_95 = arith.addi %mul3A_93, %add3A_94 : i32
    "tpu.region"() ({
      %run_scoped3A_247 = tpu.sem_alloc : memref<!tpu.dma_semaphore, #tpu.memory_space<semaphore_mem>>
      %dma_start3A_248 = arith.constant 0 : i32
      %dma_start3A_249 = tpu.memref_slice %arg11[%dma_start3A_248] : memref<1024xf32, #tpu.memory_space<vmem>> -> memref<1024xf32, #tpu.memory_space<vmem>>
      %dma_start3A_250 = tpu.memref_slice %arg13[%add3A_95] : memref<360448xf32, #tpu.memory_space<vmem_shared>> -> memref<1024xf32, #tpu.memory_space<vmem_shared>>
      %dma_start3A_251 = tpu.memref_slice %arg13[%add3A_95] : memref<360448xf32, #tpu.memory_space<vmem_shared>> -> memref<1024xf32, #tpu.memory_space<vmem_shared>>
      %dma_start3A_252 = arith.constant 0 : i32
      %dma_start3A_253 = tpu.memref_slice %arg11[%dma_start3A_252] : memref<1024xf32, #tpu.memory_space<vmem>> -> memref<1024xf32, #tpu.memory_space<vmem>>
      tpu.enqueue_dma source(%dma_start3A_253 : memref<1024xf32, #tpu.memory_space<vmem>>) target(%dma_start3A_251 : memref<1024xf32, #tpu.memory_space<vmem_shared>>) target_semaphore(%run_scoped3A_247 : memref<!tpu.dma_semaphore, #tpu.memory_space<semaphore_mem>>)
      %dma_wait3A_254 = arith.constant 0 : i32
      %dma_wait3A_255 = tpu.memref_slice %arg11[%dma_wait3A_254] : memref<1024xf32, #tpu.memory_space<vmem>> -> memref<1024xf32, #tpu.memory_space<vmem>>
      %dma_wait3A_256 = tpu.memref_slice %arg13[%add3A_95] : memref<360448xf32, #tpu.memory_space<vmem_shared>> -> memref<1024xf32, #tpu.memory_space<vmem_shared>>
      %dma_wait3A_257 = tpu.memref_slice %arg13[%add3A_95] : memref<360448xf32, #tpu.memory_space<vmem_shared>> -> memref<1024xf32, #tpu.memory_space<vmem_shared>>
      %dma_wait3A_258 = arith.constant 0 : i32
      %dma_wait3A_259 = tpu.memref_slice %arg11[%dma_wait3A_258] : memref<1024xf32, #tpu.memory_space<vmem>> -> memref<1024xf32, #tpu.memory_space<vmem>>
      tpu.wait_dma2 semaphore(%run_scoped3A_247 : memref<!tpu.dma_semaphore, #tpu.memory_space<semaphore_mem>>) src(%dma_wait3A_259 : memref<1024xf32, #tpu.memory_space<vmem>>) dst(%dma_wait3A_257 : memref<1024xf32, #tpu.memory_space<vmem_shared>>)
      tpu.yield
    }) : () -> ()
    %mul3A_96 = arith.constant 22528 : i32
    %mul3A_97 = arith.muli %arg1, %mul3A_96 : i32
    %add3A_98 = arith.constant 12288 : i32
    %add3A_99 = arith.addi %mul3A_97, %add3A_98 : i32
    "tpu.region"() ({
      %run_scoped3A_247 = tpu.sem_alloc : memref<!tpu.dma_semaphore, #tpu.memory_space<semaphore_mem>>
      %dma_start3A_248 = arith.constant 0 : i32
      %dma_start3A_249 = tpu.memref_slice %arg11[%dma_start3A_248] : memref<1024xf32, #tpu.memory_space<vmem>> -> memref<1024xf32, #tpu.memory_space<vmem>>
      %dma_start3A_250 = tpu.memref_slice %arg13[%add3A_99] : memref<360448xf32, #tpu.memory_space<vmem_shared>> -> memref<1024xf32, #tpu.memory_space<vmem_shared>>
      %dma_start3A_251 = tpu.memref_slice %arg13[%add3A_99] : memref<360448xf32, #tpu.memory_space<vmem_shared>> -> memref<1024xf32, #tpu.memory_space<vmem_shared>>
      %dma_start3A_252 = arith.constant 0 : i32
      %dma_start3A_253 = tpu.memref_slice %arg11[%dma_start3A_252] : memref<1024xf32, #tpu.memory_space<vmem>> -> memref<1024xf32, #tpu.memory_space<vmem>>
      tpu.enqueue_dma source(%dma_start3A_253 : memref<1024xf32, #tpu.memory_space<vmem>>) target(%dma_start3A_251 : memref<1024xf32, #tpu.memory_space<vmem_shared>>) target_semaphore(%run_scoped3A_247 : memref<!tpu.dma_semaphore, #tpu.memory_space<semaphore_mem>>)
      %dma_wait3A_254 = arith.constant 0 : i32
      %dma_wait3A_255 = tpu.memref_slice %arg11[%dma_wait3A_254] : memref<1024xf32, #tpu.memory_space<vmem>> -> memref<1024xf32, #tpu.memory_space<vmem>>
      %dma_wait3A_256 = tpu.memref_slice %arg13[%add3A_99] : memref<360448xf32, #tpu.memory_space<vmem_shared>> -> memref<1024xf32, #tpu.memory_space<vmem_shared>>
      %dma_wait3A_257 = tpu.memref_slice %arg13[%add3A_99] : memref<360448xf32, #tpu.memory_space<vmem_shared>> -> memref<1024xf32, #tpu.memory_space<vmem_shared>>
      %dma_wait3A_258 = arith.constant 0 : i32
      %dma_wait3A_259 = tpu.memref_slice %arg11[%dma_wait3A_258] : memref<1024xf32, #tpu.memory_space<vmem>> -> memref<1024xf32, #tpu.memory_space<vmem>>
      tpu.wait_dma2 semaphore(%run_scoped3A_247 : memref<!tpu.dma_semaphore, #tpu.memory_space<semaphore_mem>>) src(%dma_wait3A_259 : memref<1024xf32, #tpu.memory_space<vmem>>) dst(%dma_wait3A_257 : memref<1024xf32, #tpu.memory_space<vmem_shared>>)
      tpu.yield
    }) : () -> ()
    %mul3A_100 = arith.constant 22528 : i32
    %mul3A_101 = arith.muli %arg1, %mul3A_100 : i32
    %add3A_102 = arith.constant 13312 : i32
    %add3A_103 = arith.addi %mul3A_101, %add3A_102 : i32
    "tpu.region"() ({
      %run_scoped3A_247 = tpu.sem_alloc : memref<!tpu.dma_semaphore, #tpu.memory_space<semaphore_mem>>
      %dma_start3A_248 = arith.constant 0 : i32
      %dma_start3A_249 = tpu.memref_slice %arg11[%dma_start3A_248] : memref<1024xf32, #tpu.memory_space<vmem>> -> memref<1024xf32, #tpu.memory_space<vmem>>
      %dma_start3A_250 = tpu.memref_slice %arg13[%add3A_103] : memref<360448xf32, #tpu.memory_space<vmem_shared>> -> memref<1024xf32, #tpu.memory_space<vmem_shared>>
      %dma_start3A_251 = tpu.memref_slice %arg13[%add3A_103] : memref<360448xf32, #tpu.memory_space<vmem_shared>> -> memref<1024xf32, #tpu.memory_space<vmem_shared>>
      %dma_start3A_252 = arith.constant 0 : i32
      %dma_start3A_253 = tpu.memref_slice %arg11[%dma_start3A_252] : memref<1024xf32, #tpu.memory_space<vmem>> -> memref<1024xf32, #tpu.memory_space<vmem>>
      tpu.enqueue_dma source(%dma_start3A_253 : memref<1024xf32, #tpu.memory_space<vmem>>) target(%dma_start3A_251 : memref<1024xf32, #tpu.memory_space<vmem_shared>>) target_semaphore(%run_scoped3A_247 : memref<!tpu.dma_semaphore, #tpu.memory_space<semaphore_mem>>)
      %dma_wait3A_254 = arith.constant 0 : i32
      %dma_wait3A_255 = tpu.memref_slice %arg11[%dma_wait3A_254] : memref<1024xf32, #tpu.memory_space<vmem>> -> memref<1024xf32, #tpu.memory_space<vmem>>
      %dma_wait3A_256 = tpu.memref_slice %arg13[%add3A_103] : memref<360448xf32, #tpu.memory_space<vmem_shared>> -> memref<1024xf32, #tpu.memory_space<vmem_shared>>
      %dma_wait3A_257 = tpu.memref_slice %arg13[%add3A_103] : memref<360448xf32, #tpu.memory_space<vmem_shared>> -> memref<1024xf32, #tpu.memory_space<vmem_shared>>
      %dma_wait3A_258 = arith.constant 0 : i32
      %dma_wait3A_259 = tpu.memref_slice %arg11[%dma_wait3A_258] : memref<1024xf32, #tpu.memory_space<vmem>> -> memref<1024xf32, #tpu.memory_space<vmem>>
      tpu.wait_dma2 semaphore(%run_scoped3A_247 : memref<!tpu.dma_semaphore, #tpu.memory_space<semaphore_mem>>) src(%dma_wait3A_259 : memref<1024xf32, #tpu.memory_space<vmem>>) dst(%dma_wait3A_257 : memref<1024xf32, #tpu.memory_space<vmem_shared>>)
      tpu.yield
    }) : () -> ()
    %mul3A_104 = arith.constant 22528 : i32
    %mul3A_105 = arith.muli %arg1, %mul3A_104 : i32
    %add3A_106 = arith.constant 14336 : i32
    %add3A_107 = arith.addi %mul3A_105, %add3A_106 : i32
    "tpu.region"() ({
      %run_scoped3A_247 = tpu.sem_alloc : memref<!tpu.dma_semaphore, #tpu.memory_space<semaphore_mem>>
      %dma_start3A_248 = arith.constant 0 : i32
      %dma_start3A_249 = tpu.memref_slice %arg11[%dma_start3A_248] : memref<1024xf32, #tpu.memory_space<vmem>> -> memref<1024xf32, #tpu.memory_space<vmem>>
      %dma_start3A_250 = tpu.memref_slice %arg13[%add3A_107] : memref<360448xf32, #tpu.memory_space<vmem_shared>> -> memref<1024xf32, #tpu.memory_space<vmem_shared>>
      %dma_start3A_251 = tpu.memref_slice %arg13[%add3A_107] : memref<360448xf32, #tpu.memory_space<vmem_shared>> -> memref<1024xf32, #tpu.memory_space<vmem_shared>>
      %dma_start3A_252 = arith.constant 0 : i32
      %dma_start3A_253 = tpu.memref_slice %arg11[%dma_start3A_252] : memref<1024xf32, #tpu.memory_space<vmem>> -> memref<1024xf32, #tpu.memory_space<vmem>>
      tpu.enqueue_dma source(%dma_start3A_253 : memref<1024xf32, #tpu.memory_space<vmem>>) target(%dma_start3A_251 : memref<1024xf32, #tpu.memory_space<vmem_shared>>) target_semaphore(%run_scoped3A_247 : memref<!tpu.dma_semaphore, #tpu.memory_space<semaphore_mem>>)
      %dma_wait3A_254 = arith.constant 0 : i32
      %dma_wait3A_255 = tpu.memref_slice %arg11[%dma_wait3A_254] : memref<1024xf32, #tpu.memory_space<vmem>> -> memref<1024xf32, #tpu.memory_space<vmem>>
      %dma_wait3A_256 = tpu.memref_slice %arg13[%add3A_107] : memref<360448xf32, #tpu.memory_space<vmem_shared>> -> memref<1024xf32, #tpu.memory_space<vmem_shared>>
      %dma_wait3A_257 = tpu.memref_slice %arg13[%add3A_107] : memref<360448xf32, #tpu.memory_space<vmem_shared>> -> memref<1024xf32, #tpu.memory_space<vmem_shared>>
      %dma_wait3A_258 = arith.constant 0 : i32
      %dma_wait3A_259 = tpu.memref_slice %arg11[%dma_wait3A_258] : memref<1024xf32, #tpu.memory_space<vmem>> -> memref<1024xf32, #tpu.memory_space<vmem>>
      tpu.wait_dma2 semaphore(%run_scoped3A_247 : memref<!tpu.dma_semaphore, #tpu.memory_space<semaphore_mem>>) src(%dma_wait3A_259 : memref<1024xf32, #tpu.memory_space<vmem>>) dst(%dma_wait3A_257 : memref<1024xf32, #tpu.memory_space<vmem_shared>>)
      tpu.yield
    }) : () -> ()
    %mul3A_108 = arith.constant 22528 : i32
    %mul3A_109 = arith.muli %arg1, %mul3A_108 : i32
    %add3A_110 = arith.constant 15360 : i32
    %add3A_111 = arith.addi %mul3A_109, %add3A_110 : i32
    "tpu.region"() ({
      %run_scoped3A_247 = tpu.sem_alloc : memref<!tpu.dma_semaphore, #tpu.memory_space<semaphore_mem>>
      %dma_start3A_248 = arith.constant 0 : i32
      %dma_start3A_249 = tpu.memref_slice %arg11[%dma_start3A_248] : memref<1024xf32, #tpu.memory_space<vmem>> -> memref<1024xf32, #tpu.memory_space<vmem>>
      %dma_start3A_250 = tpu.memref_slice %arg13[%add3A_111] : memref<360448xf32, #tpu.memory_space<vmem_shared>> -> memref<1024xf32, #tpu.memory_space<vmem_shared>>
      %dma_start3A_251 = tpu.memref_slice %arg13[%add3A_111] : memref<360448xf32, #tpu.memory_space<vmem_shared>> -> memref<1024xf32, #tpu.memory_space<vmem_shared>>
      %dma_start3A_252 = arith.constant 0 : i32
      %dma_start3A_253 = tpu.memref_slice %arg11[%dma_start3A_252] : memref<1024xf32, #tpu.memory_space<vmem>> -> memref<1024xf32, #tpu.memory_space<vmem>>
      tpu.enqueue_dma source(%dma_start3A_253 : memref<1024xf32, #tpu.memory_space<vmem>>) target(%dma_start3A_251 : memref<1024xf32, #tpu.memory_space<vmem_shared>>) target_semaphore(%run_scoped3A_247 : memref<!tpu.dma_semaphore, #tpu.memory_space<semaphore_mem>>)
      %dma_wait3A_254 = arith.constant 0 : i32
      %dma_wait3A_255 = tpu.memref_slice %arg11[%dma_wait3A_254] : memref<1024xf32, #tpu.memory_space<vmem>> -> memref<1024xf32, #tpu.memory_space<vmem>>
      %dma_wait3A_256 = tpu.memref_slice %arg13[%add3A_111] : memref<360448xf32, #tpu.memory_space<vmem_shared>> -> memref<1024xf32, #tpu.memory_space<vmem_shared>>
      %dma_wait3A_257 = tpu.memref_slice %arg13[%add3A_111] : memref<360448xf32, #tpu.memory_space<vmem_shared>> -> memref<1024xf32, #tpu.memory_space<vmem_shared>>
      %dma_wait3A_258 = arith.constant 0 : i32
      %dma_wait3A_259 = tpu.memref_slice %arg11[%dma_wait3A_258] : memref<1024xf32, #tpu.memory_space<vmem>> -> memref<1024xf32, #tpu.memory_space<vmem>>
      tpu.wait_dma2 semaphore(%run_scoped3A_247 : memref<!tpu.dma_semaphore, #tpu.memory_space<semaphore_mem>>) src(%dma_wait3A_259 : memref<1024xf32, #tpu.memory_space<vmem>>) dst(%dma_wait3A_257 : memref<1024xf32, #tpu.memory_space<vmem_shared>>)
      tpu.yield
    }) : () -> ()
    %mul3A_112 = arith.constant 22528 : i32
    %mul3A_113 = arith.muli %arg1, %mul3A_112 : i32
    %add3A_114 = arith.constant 16384 : i32
    %add3A_115 = arith.addi %mul3A_113, %add3A_114 : i32
    "tpu.region"() ({
      %run_scoped3A_247 = tpu.sem_alloc : memref<!tpu.dma_semaphore, #tpu.memory_space<semaphore_mem>>
      %dma_start3A_248 = arith.constant 0 : i32
      %dma_start3A_249 = tpu.memref_slice %arg11[%dma_start3A_248] : memref<1024xf32, #tpu.memory_space<vmem>> -> memref<1024xf32, #tpu.memory_space<vmem>>
      %dma_start3A_250 = tpu.memref_slice %arg13[%add3A_115] : memref<360448xf32, #tpu.memory_space<vmem_shared>> -> memref<1024xf32, #tpu.memory_space<vmem_shared>>
      %dma_start3A_251 = tpu.memref_slice %arg13[%add3A_115] : memref<360448xf32, #tpu.memory_space<vmem_shared>> -> memref<1024xf32, #tpu.memory_space<vmem_shared>>
      %dma_start3A_252 = arith.constant 0 : i32
      %dma_start3A_253 = tpu.memref_slice %arg11[%dma_start3A_252] : memref<1024xf32, #tpu.memory_space<vmem>> -> memref<1024xf32, #tpu.memory_space<vmem>>
      tpu.enqueue_dma source(%dma_start3A_253 : memref<1024xf32, #tpu.memory_space<vmem>>) target(%dma_start3A_251 : memref<1024xf32, #tpu.memory_space<vmem_shared>>) target_semaphore(%run_scoped3A_247 : memref<!tpu.dma_semaphore, #tpu.memory_space<semaphore_mem>>)
      %dma_wait3A_254 = arith.constant 0 : i32
      %dma_wait3A_255 = tpu.memref_slice %arg11[%dma_wait3A_254] : memref<1024xf32, #tpu.memory_space<vmem>> -> memref<1024xf32, #tpu.memory_space<vmem>>
      %dma_wait3A_256 = tpu.memref_slice %arg13[%add3A_115] : memref<360448xf32, #tpu.memory_space<vmem_shared>> -> memref<1024xf32, #tpu.memory_space<vmem_shared>>
      %dma_wait3A_257 = tpu.memref_slice %arg13[%add3A_115] : memref<360448xf32, #tpu.memory_space<vmem_shared>> -> memref<1024xf32, #tpu.memory_space<vmem_shared>>
      %dma_wait3A_258 = arith.constant 0 : i32
      %dma_wait3A_259 = tpu.memref_slice %arg11[%dma_wait3A_258] : memref<1024xf32, #tpu.memory_space<vmem>> -> memref<1024xf32, #tpu.memory_space<vmem>>
      tpu.wait_dma2 semaphore(%run_scoped3A_247 : memref<!tpu.dma_semaphore, #tpu.memory_space<semaphore_mem>>) src(%dma_wait3A_259 : memref<1024xf32, #tpu.memory_space<vmem>>) dst(%dma_wait3A_257 : memref<1024xf32, #tpu.memory_space<vmem_shared>>)
      tpu.yield
    }) : () -> ()
    %mul3A_116 = arith.constant 22528 : i32
    %mul3A_117 = arith.muli %arg1, %mul3A_116 : i32
    %add3A_118 = arith.constant 17408 : i32
    %add3A_119 = arith.addi %mul3A_117, %add3A_118 : i32
    "tpu.region"() ({
      %run_scoped3A_247 = tpu.sem_alloc : memref<!tpu.dma_semaphore, #tpu.memory_space<semaphore_mem>>
      %dma_start3A_248 = arith.constant 0 : i32
      %dma_start3A_249 = tpu.memref_slice %arg11[%dma_start3A_248] : memref<1024xf32, #tpu.memory_space<vmem>> -> memref<1024xf32, #tpu.memory_space<vmem>>
      %dma_start3A_250 = tpu.memref_slice %arg13[%add3A_119] : memref<360448xf32, #tpu.memory_space<vmem_shared>> -> memref<1024xf32, #tpu.memory_space<vmem_shared>>
      %dma_start3A_251 = tpu.memref_slice %arg13[%add3A_119] : memref<360448xf32, #tpu.memory_space<vmem_shared>> -> memref<1024xf32, #tpu.memory_space<vmem_shared>>
      %dma_start3A_252 = arith.constant 0 : i32
      %dma_start3A_253 = tpu.memref_slice %arg11[%dma_start3A_252] : memref<1024xf32, #tpu.memory_space<vmem>> -> memref<1024xf32, #tpu.memory_space<vmem>>
      tpu.enqueue_dma source(%dma_start3A_253 : memref<1024xf32, #tpu.memory_space<vmem>>) target(%dma_start3A_251 : memref<1024xf32, #tpu.memory_space<vmem_shared>>) target_semaphore(%run_scoped3A_247 : memref<!tpu.dma_semaphore, #tpu.memory_space<semaphore_mem>>)
      %dma_wait3A_254 = arith.constant 0 : i32
      %dma_wait3A_255 = tpu.memref_slice %arg11[%dma_wait3A_254] : memref<1024xf32, #tpu.memory_space<vmem>> -> memref<1024xf32, #tpu.memory_space<vmem>>
      %dma_wait3A_256 = tpu.memref_slice %arg13[%add3A_119] : memref<360448xf32, #tpu.memory_space<vmem_shared>> -> memref<1024xf32, #tpu.memory_space<vmem_shared>>
      %dma_wait3A_257 = tpu.memref_slice %arg13[%add3A_119] : memref<360448xf32, #tpu.memory_space<vmem_shared>> -> memref<1024xf32, #tpu.memory_space<vmem_shared>>
      %dma_wait3A_258 = arith.constant 0 : i32
      %dma_wait3A_259 = tpu.memref_slice %arg11[%dma_wait3A_258] : memref<1024xf32, #tpu.memory_space<vmem>> -> memref<1024xf32, #tpu.memory_space<vmem>>
      tpu.wait_dma2 semaphore(%run_scoped3A_247 : memref<!tpu.dma_semaphore, #tpu.memory_space<semaphore_mem>>) src(%dma_wait3A_259 : memref<1024xf32, #tpu.memory_space<vmem>>) dst(%dma_wait3A_257 : memref<1024xf32, #tpu.memory_space<vmem_shared>>)
      tpu.yield
    }) : () -> ()
    %mul3A_120 = arith.constant 22528 : i32
    %mul3A_121 = arith.muli %arg1, %mul3A_120 : i32
    %add3A_122 = arith.constant 18432 : i32
    %add3A_123 = arith.addi %mul3A_121, %add3A_122 : i32
    "tpu.region"() ({
      %run_scoped3A_247 = tpu.sem_alloc : memref<!tpu.dma_semaphore, #tpu.memory_space<semaphore_mem>>
      %dma_start3A_248 = arith.constant 0 : i32
      %dma_start3A_249 = tpu.memref_slice %arg11[%dma_start3A_248] : memref<1024xf32, #tpu.memory_space<vmem>> -> memref<1024xf32, #tpu.memory_space<vmem>>
      %dma_start3A_250 = tpu.memref_slice %arg13[%add3A_123] : memref<360448xf32, #tpu.memory_space<vmem_shared>> -> memref<1024xf32, #tpu.memory_space<vmem_shared>>
      %dma_start3A_251 = tpu.memref_slice %arg13[%add3A_123] : memref<360448xf32, #tpu.memory_space<vmem_shared>> -> memref<1024xf32, #tpu.memory_space<vmem_shared>>
      %dma_start3A_252 = arith.constant 0 : i32
      %dma_start3A_253 = tpu.memref_slice %arg11[%dma_start3A_252] : memref<1024xf32, #tpu.memory_space<vmem>> -> memref<1024xf32, #tpu.memory_space<vmem>>
      tpu.enqueue_dma source(%dma_start3A_253 : memref<1024xf32, #tpu.memory_space<vmem>>) target(%dma_start3A_251 : memref<1024xf32, #tpu.memory_space<vmem_shared>>) target_semaphore(%run_scoped3A_247 : memref<!tpu.dma_semaphore, #tpu.memory_space<semaphore_mem>>)
      %dma_wait3A_254 = arith.constant 0 : i32
      %dma_wait3A_255 = tpu.memref_slice %arg11[%dma_wait3A_254] : memref<1024xf32, #tpu.memory_space<vmem>> -> memref<1024xf32, #tpu.memory_space<vmem>>
      %dma_wait3A_256 = tpu.memref_slice %arg13[%add3A_123] : memref<360448xf32, #tpu.memory_space<vmem_shared>> -> memref<1024xf32, #tpu.memory_space<vmem_shared>>
      %dma_wait3A_257 = tpu.memref_slice %arg13[%add3A_123] : memref<360448xf32, #tpu.memory_space<vmem_shared>> -> memref<1024xf32, #tpu.memory_space<vmem_shared>>
      %dma_wait3A_258 = arith.constant 0 : i32
      %dma_wait3A_259 = tpu.memref_slice %arg11[%dma_wait3A_258] : memref<1024xf32, #tpu.memory_space<vmem>> -> memref<1024xf32, #tpu.memory_space<vmem>>
      tpu.wait_dma2 semaphore(%run_scoped3A_247 : memref<!tpu.dma_semaphore, #tpu.memory_space<semaphore_mem>>) src(%dma_wait3A_259 : memref<1024xf32, #tpu.memory_space<vmem>>) dst(%dma_wait3A_257 : memref<1024xf32, #tpu.memory_space<vmem_shared>>)
      tpu.yield
    }) : () -> ()
    %mul3A_124 = arith.constant 22528 : i32
    %mul3A_125 = arith.muli %arg1, %mul3A_124 : i32
    %add3A_126 = arith.constant 19456 : i32
    %add3A_127 = arith.addi %mul3A_125, %add3A_126 : i32
    "tpu.region"() ({
      %run_scoped3A_247 = tpu.sem_alloc : memref<!tpu.dma_semaphore, #tpu.memory_space<semaphore_mem>>
      %dma_start3A_248 = arith.constant 0 : i32
      %dma_start3A_249 = tpu.memref_slice %arg11[%dma_start3A_248] : memref<1024xf32, #tpu.memory_space<vmem>> -> memref<1024xf32, #tpu.memory_space<vmem>>
      %dma_start3A_250 = tpu.memref_slice %arg13[%add3A_127] : memref<360448xf32, #tpu.memory_space<vmem_shared>> -> memref<1024xf32, #tpu.memory_space<vmem_shared>>
      %dma_start3A_251 = tpu.memref_slice %arg13[%add3A_127] : memref<360448xf32, #tpu.memory_space<vmem_shared>> -> memref<1024xf32, #tpu.memory_space<vmem_shared>>
      %dma_start3A_252 = arith.constant 0 : i32
      %dma_start3A_253 = tpu.memref_slice %arg11[%dma_start3A_252] : memref<1024xf32, #tpu.memory_space<vmem>> -> memref<1024xf32, #tpu.memory_space<vmem>>
      tpu.enqueue_dma source(%dma_start3A_253 : memref<1024xf32, #tpu.memory_space<vmem>>) target(%dma_start3A_251 : memref<1024xf32, #tpu.memory_space<vmem_shared>>) target_semaphore(%run_scoped3A_247 : memref<!tpu.dma_semaphore, #tpu.memory_space<semaphore_mem>>)
      %dma_wait3A_254 = arith.constant 0 : i32
      %dma_wait3A_255 = tpu.memref_slice %arg11[%dma_wait3A_254] : memref<1024xf32, #tpu.memory_space<vmem>> -> memref<1024xf32, #tpu.memory_space<vmem>>
      %dma_wait3A_256 = tpu.memref_slice %arg13[%add3A_127] : memref<360448xf32, #tpu.memory_space<vmem_shared>> -> memref<1024xf32, #tpu.memory_space<vmem_shared>>
      %dma_wait3A_257 = tpu.memref_slice %arg13[%add3A_127] : memref<360448xf32, #tpu.memory_space<vmem_shared>> -> memref<1024xf32, #tpu.memory_space<vmem_shared>>
      %dma_wait3A_258 = arith.constant 0 : i32
      %dma_wait3A_259 = tpu.memref_slice %arg11[%dma_wait3A_258] : memref<1024xf32, #tpu.memory_space<vmem>> -> memref<1024xf32, #tpu.memory_space<vmem>>
      tpu.wait_dma2 semaphore(%run_scoped3A_247 : memref<!tpu.dma_semaphore, #tpu.memory_space<semaphore_mem>>) src(%dma_wait3A_259 : memref<1024xf32, #tpu.memory_space<vmem>>) dst(%dma_wait3A_257 : memref<1024xf32, #tpu.memory_space<vmem_shared>>)
      tpu.yield
    }) : () -> ()
    %mul3A_128 = arith.constant 22528 : i32
    %mul3A_129 = arith.muli %arg1, %mul3A_128 : i32
    %add3A_130 = arith.constant 20480 : i32
    %add3A_131 = arith.addi %mul3A_129, %add3A_130 : i32
    "tpu.region"() ({
      %run_scoped3A_247 = tpu.sem_alloc : memref<!tpu.dma_semaphore, #tpu.memory_space<semaphore_mem>>
      %dma_start3A_248 = arith.constant 0 : i32
      %dma_start3A_249 = tpu.memref_slice %arg11[%dma_start3A_248] : memref<1024xf32, #tpu.memory_space<vmem>> -> memref<1024xf32, #tpu.memory_space<vmem>>
      %dma_start3A_250 = tpu.memref_slice %arg13[%add3A_131] : memref<360448xf32, #tpu.memory_space<vmem_shared>> -> memref<1024xf32, #tpu.memory_space<vmem_shared>>
      %dma_start3A_251 = tpu.memref_slice %arg13[%add3A_131] : memref<360448xf32, #tpu.memory_space<vmem_shared>> -> memref<1024xf32, #tpu.memory_space<vmem_shared>>
      %dma_start3A_252 = arith.constant 0 : i32
      %dma_start3A_253 = tpu.memref_slice %arg11[%dma_start3A_252] : memref<1024xf32, #tpu.memory_space<vmem>> -> memref<1024xf32, #tpu.memory_space<vmem>>
      tpu.enqueue_dma source(%dma_start3A_253 : memref<1024xf32, #tpu.memory_space<vmem>>) target(%dma_start3A_251 : memref<1024xf32, #tpu.memory_space<vmem_shared>>) target_semaphore(%run_scoped3A_247 : memref<!tpu.dma_semaphore, #tpu.memory_space<semaphore_mem>>)
      %dma_wait3A_254 = arith.constant 0 : i32
      %dma_wait3A_255 = tpu.memref_slice %arg11[%dma_wait3A_254] : memref<1024xf32, #tpu.memory_space<vmem>> -> memref<1024xf32, #tpu.memory_space<vmem>>
      %dma_wait3A_256 = tpu.memref_slice %arg13[%add3A_131] : memref<360448xf32, #tpu.memory_space<vmem_shared>> -> memref<1024xf32, #tpu.memory_space<vmem_shared>>
      %dma_wait3A_257 = tpu.memref_slice %arg13[%add3A_131] : memref<360448xf32, #tpu.memory_space<vmem_shared>> -> memref<1024xf32, #tpu.memory_space<vmem_shared>>
      %dma_wait3A_258 = arith.constant 0 : i32
      %dma_wait3A_259 = tpu.memref_slice %arg11[%dma_wait3A_258] : memref<1024xf32, #tpu.memory_space<vmem>> -> memref<1024xf32, #tpu.memory_space<vmem>>
      tpu.wait_dma2 semaphore(%run_scoped3A_247 : memref<!tpu.dma_semaphore, #tpu.memory_space<semaphore_mem>>) src(%dma_wait3A_259 : memref<1024xf32, #tpu.memory_space<vmem>>) dst(%dma_wait3A_257 : memref<1024xf32, #tpu.memory_space<vmem_shared>>)
      tpu.yield
    }) : () -> ()
    %mul3A_132 = arith.constant 22528 : i32
    %mul3A_133 = arith.muli %arg1, %mul3A_132 : i32
    %add3A_134 = arith.constant 21504 : i32
    %add3A_135 = arith.addi %mul3A_133, %add3A_134 : i32
    "tpu.region"() ({
      %run_scoped3A_247 = tpu.sem_alloc : memref<!tpu.dma_semaphore, #tpu.memory_space<semaphore_mem>>
      %dma_start3A_248 = arith.constant 0 : i32
      %dma_start3A_249 = tpu.memref_slice %arg11[%dma_start3A_248] : memref<1024xf32, #tpu.memory_space<vmem>> -> memref<1024xf32, #tpu.memory_space<vmem>>
      %dma_start3A_250 = tpu.memref_slice %arg13[%add3A_135] : memref<360448xf32, #tpu.memory_space<vmem_shared>> -> memref<1024xf32, #tpu.memory_space<vmem_shared>>
      %dma_start3A_251 = tpu.memref_slice %arg13[%add3A_135] : memref<360448xf32, #tpu.memory_space<vmem_shared>> -> memref<1024xf32, #tpu.memory_space<vmem_shared>>
      %dma_start3A_252 = arith.constant 0 : i32
      %dma_start3A_253 = tpu.memref_slice %arg11[%dma_start3A_252] : memref<1024xf32, #tpu.memory_space<vmem>> -> memref<1024xf32, #tpu.memory_space<vmem>>
      tpu.enqueue_dma source(%dma_start3A_253 : memref<1024xf32, #tpu.memory_space<vmem>>) target(%dma_start3A_251 : memref<1024xf32, #tpu.memory_space<vmem_shared>>) target_semaphore(%run_scoped3A_247 : memref<!tpu.dma_semaphore, #tpu.memory_space<semaphore_mem>>)
      %dma_wait3A_254 = arith.constant 0 : i32
      %dma_wait3A_255 = tpu.memref_slice %arg11[%dma_wait3A_254] : memref<1024xf32, #tpu.memory_space<vmem>> -> memref<1024xf32, #tpu.memory_space<vmem>>
      %dma_wait3A_256 = tpu.memref_slice %arg13[%add3A_135] : memref<360448xf32, #tpu.memory_space<vmem_shared>> -> memref<1024xf32, #tpu.memory_space<vmem_shared>>
      %dma_wait3A_257 = tpu.memref_slice %arg13[%add3A_135] : memref<360448xf32, #tpu.memory_space<vmem_shared>> -> memref<1024xf32, #tpu.memory_space<vmem_shared>>
      %dma_wait3A_258 = arith.constant 0 : i32
      %dma_wait3A_259 = tpu.memref_slice %arg11[%dma_wait3A_258] : memref<1024xf32, #tpu.memory_space<vmem>> -> memref<1024xf32, #tpu.memory_space<vmem>>
      tpu.wait_dma2 semaphore(%run_scoped3A_247 : memref<!tpu.dma_semaphore, #tpu.memory_space<semaphore_mem>>) src(%dma_wait3A_259 : memref<1024xf32, #tpu.memory_space<vmem>>) dst(%dma_wait3A_257 : memref<1024xf32, #tpu.memory_space<vmem_shared>>)
      tpu.yield
    }) : () -> ()
    %broadcast_in_dim3A = arith.constant 1.000000e+00 : f32
    %broadcast_in_dim3A_136 = vector.broadcast %broadcast_in_dim3A : f32 to vector<16xf32>
    %swap3A = arith.constant 0 : index
    %swap3A_137 = tpu.vector_load %arg10[%swap3A] {strides = array<i32>} : memref<96xf32, #tpu.memory_space<vmem>>, vector<16xf32>,
    %swap3A_138 = vector.shape_cast %swap3A_137 : vector<16xf32> to vector<16xf32>
    %swap3A_139 = vector.shape_cast %broadcast_in_dim3A_136 : vector<16xf32> to vector<16xf32>
    tpu.vector_store %arg10[%swap3A], %swap3A_139 {strides = array<i32>} : memref<96xf32, #tpu.memory_space<vmem>>, vector<16xf32>,
    %broadcast_in_dim3A_140 = arith.constant 1.000000e+00 : f32
    %broadcast_in_dim3A_141 = vector.broadcast %broadcast_in_dim3A_140 : f32 to vector<16xf32>
    %swap3A_142 = arith.constant 16 : index
    %swap3A_143 = tpu.vector_load %arg10[%swap3A_142] {strides = array<i32>} : memref<96xf32, #tpu.memory_space<vmem>>, vector<16xf32>,
    %swap3A_144 = vector.shape_cast %swap3A_143 : vector<16xf32> to vector<16xf32>
    %swap3A_145 = vector.shape_cast %broadcast_in_dim3A_141 : vector<16xf32> to vector<16xf32>
    tpu.vector_store %arg10[%swap3A_142], %swap3A_145 {strides = array<i32>} : memref<96xf32, #tpu.memory_space<vmem>>, vector<16xf32>,
    %broadcast_in_dim3A_146 = arith.constant 1.000000e+00 : f32
    %broadcast_in_dim3A_147 = vector.broadcast %broadcast_in_dim3A_146 : f32 to vector<16xf32>
    %swap3A_148 = arith.constant 32 : index
    %swap3A_149 = tpu.vector_load %arg10[%swap3A_148] {strides = array<i32>} : memref<96xf32, #tpu.memory_space<vmem>>, vector<16xf32>,
    %swap3A_150 = vector.shape_cast %swap3A_149 : vector<16xf32> to vector<16xf32>
    %swap3A_151 = vector.shape_cast %broadcast_in_dim3A_147 : vector<16xf32> to vector<16xf32>
    tpu.vector_store %arg10[%swap3A_148], %swap3A_151 {strides = array<i32>} : memref<96xf32, #tpu.memory_space<vmem>>, vector<16xf32>,
    %broadcast_in_dim3A_152 = arith.constant 1.000000e+00 : f32
    %broadcast_in_dim3A_153 = vector.broadcast %broadcast_in_dim3A_152 : f32 to vector<16xf32>
    %swap3A_154 = arith.constant 48 : index
    %swap3A_155 = tpu.vector_load %arg10[%swap3A_154] {strides = array<i32>} : memref<96xf32, #tpu.memory_space<vmem>>, vector<16xf32>,
    %swap3A_156 = vector.shape_cast %swap3A_155 : vector<16xf32> to vector<16xf32>
    %swap3A_157 = vector.shape_cast %broadcast_in_dim3A_153 : vector<16xf32> to vector<16xf32>
    tpu.vector_store %arg10[%swap3A_154], %swap3A_157 {strides = array<i32>} : memref<96xf32, #tpu.memory_space<vmem>>, vector<16xf32>,
    %broadcast_in_dim3A_158 = arith.constant 1.000000e+00 : f32
    %broadcast_in_dim3A_159 = vector.broadcast %broadcast_in_dim3A_158 : f32 to vector<16xf32>
    %swap3A_160 = arith.constant 64 : index
    %swap3A_161 = tpu.vector_load %arg10[%swap3A_160] {strides = array<i32>} : memref<96xf32, #tpu.memory_space<vmem>>, vector<16xf32>,
    %swap3A_162 = vector.shape_cast %swap3A_161 : vector<16xf32> to vector<16xf32>
    %swap3A_163 = vector.shape_cast %broadcast_in_dim3A_159 : vector<16xf32> to vector<16xf32>
    tpu.vector_store %arg10[%swap3A_160], %swap3A_163 {strides = array<i32>} : memref<96xf32, #tpu.memory_space<vmem>>, vector<16xf32>,
    %broadcast_in_dim3A_164 = arith.constant 1.000000e+00 : f32
    %broadcast_in_dim3A_165 = vector.broadcast %broadcast_in_dim3A_164 : f32 to vector<16xf32>
    %swap3A_166 = arith.constant 80 : index
    %swap3A_167 = tpu.vector_load %arg10[%swap3A_166] {strides = array<i32>} : memref<96xf32, #tpu.memory_space<vmem>>, vector<16xf32>,
    %swap3A_168 = vector.shape_cast %swap3A_167 : vector<16xf32> to vector<16xf32>
    %swap3A_169 = vector.shape_cast %broadcast_in_dim3A_165 : vector<16xf32> to vector<16xf32>
    tpu.vector_store %arg10[%swap3A_166], %swap3A_169 {strides = array<i32>} : memref<96xf32, #tpu.memory_space<vmem>>, vector<16xf32>,
    %barrier3A = arith.constant 0 : index
    tpu.barrier barrier_id(%barrier3A)
    "tpu.region"() ({
      %run_scoped3A_247 = tpu.sem_alloc : memref<!tpu.dma_semaphore, #tpu.memory_space<semaphore_mem>>
      %dma_start3A_248 = arith.constant 0 : i32
      %dma_start3A_249 = arith.constant 0 : i32
      %dma_start3A_250 = tpu.memref_slice %arg3[%select_n3A_8, %dma_start3A_248, %dma_start3A_249] : memref<3424x3x96xi32, #tpu.memory_space<hbm>> -> memref<1x3x96xi32, #tpu.memory_space<hbm>>
      %dma_start3A_251 = tpu.memref_squeeze %dma_start3A_250 : memref<1x3x96xi32, #tpu.memory_space<hbm>> -> memref<3x96xi32, #tpu.memory_space<hbm>>
      %dma_start3A_252 = arith.constant 0 : i32
      %dma_start3A_253 = arith.constant 0 : i32
      %dma_start3A_254 = tpu.memref_slice %arg3[%select_n3A_8, %dma_start3A_252, %dma_start3A_253] : memref<3424x3x96xi32, #tpu.memory_space<hbm>> -> memref<1x3x96xi32, #tpu.memory_space<hbm>>
      %dma_start3A_255 = tpu.memref_squeeze %dma_start3A_254 : memref<1x3x96xi32, #tpu.memory_space<hbm>> -> memref<3x96xi32, #tpu.memory_space<hbm>>
      tpu.enqueue_dma source(%dma_start3A_255 : memref<3x96xi32, #tpu.memory_space<hbm>>) target(%arg6 : memref<3x96xi32, #tpu.memory_space<vmem>>) target_semaphore(%run_scoped3A_247 : memref<!tpu.dma_semaphore, #tpu.memory_space<semaphore_mem>>)
      %dma_wait3A_256 = arith.constant 0 : i32
      %dma_wait3A_257 = arith.constant 0 : i32
      %dma_wait3A_258 = tpu.memref_slice %arg3[%select_n3A_8, %dma_wait3A_256, %dma_wait3A_257] : memref<3424x3x96xi32, #tpu.memory_space<hbm>> -> memref<1x3x96xi32, #tpu.memory_space<hbm>>
      %dma_wait3A_259 = tpu.memref_squeeze %dma_wait3A_258 : memref<1x3x96xi32, #tpu.memory_space<hbm>> -> memref<3x96xi32, #tpu.memory_space<hbm>>
      %dma_wait3A_260 = arith.constant 0 : i32
      %dma_wait3A_261 = arith.constant 0 : i32
      %dma_wait3A_262 = tpu.memref_slice %arg3[%select_n3A_8, %dma_wait3A_260, %dma_wait3A_261] : memref<3424x3x96xi32, #tpu.memory_space<hbm>> -> memref<1x3x96xi32, #tpu.memory_space<hbm>>
      %dma_wait3A_263 = tpu.memref_squeeze %dma_wait3A_262 : memref<1x3x96xi32, #tpu.memory_space<hbm>> -> memref<3x96xi32, #tpu.memory_space<hbm>>
      tpu.wait_dma2 semaphore(%run_scoped3A_247 : memref<!tpu.dma_semaphore, #tpu.memory_space<semaphore_mem>>) src(%dma_wait3A_263 : memref<3x96xi32, #tpu.memory_space<hbm>>) dst(%arg6 : memref<3x96xi32, #tpu.memory_space<vmem>>)
      tpu.yield
    }) : () -> ()
    %dma_start3A = arith.constant 0 : i32
    %dma_start3A_170 = arith.constant 0 : i32
    %dma_start3A_171 = tpu.memref_slice %arg6[%dma_start3A, %dma_start3A_170] : memref<3x96xi32, #tpu.memory_space<vmem>> -> memref<1x96xi32, #tpu.memory_space<vmem>>
    %dma_start3A_172 = tpu.memref_squeeze %dma_start3A_171 : memref<1x96xi32, #tpu.memory_space<vmem>> -> memref<96xi32, #tpu.memory_space<vmem>>
    %dma_start3A_173 = arith.constant 0 : i32
    %dma_start3A_174 = arith.constant 0 : i32
    %dma_start3A_175 = tpu.memref_slice %arg2[%dma_start3A_173, %dma_start3A_174] : memref<10000x128xf32, #tpu.memory_space<hbm>> -> memref<10000x128xf32, #tpu.memory_space<hbm>>
    tpu.enqueue_indirect_dma source(%dma_start3A_175 : memref<10000x128xf32, #tpu.memory_space<hbm>>) target(%arg8 : memref<96x128xf32, #tpu.memory_space<vmem>>) offsets(%dma_start3A_172 : memref<96xi32, #tpu.memory_space<vmem>>) semaphore(%arg14 : memref<!tpu.dma_semaphore, #tpu.memory_space<semaphore_mem>>)
    %add3A_176 = arith.constant 1 : i32
    %add3A_177 = arith.addi %select_n3A_8, %add3A_176 : i32
    %dma_start3A_178 = arith.constant 0 : i32
    %dma_start3A_179 = arith.constant 0 : i32
    %dma_start3A_180 = tpu.memref_slice %arg3[%add3A_177, %dma_start3A_178, %dma_start3A_179] : memref<3424x3x96xi32, #tpu.memory_space<hbm>> -> memref<1x3x96xi32, #tpu.memory_space<hbm>>
    %dma_start3A_181 = tpu.memref_squeeze %dma_start3A_180 : memref<1x3x96xi32, #tpu.memory_space<hbm>> -> memref<3x96xi32, #tpu.memory_space<hbm>>
    %dma_start3A_182 = arith.constant 0 : i32
    %dma_start3A_183 = arith.constant 0 : i32
    %dma_start3A_184 = tpu.memref_slice %arg3[%add3A_177, %dma_start3A_182, %dma_start3A_183] : memref<3424x3x96xi32, #tpu.memory_space<hbm>> -> memref<1x3x96xi32, #tpu.memory_space<hbm>>
    %dma_start3A_185 = tpu.memref_squeeze %dma_start3A_184 : memref<1x3x96xi32, #tpu.memory_space<hbm>> -> memref<3x96xi32, #tpu.memory_space<hbm>>
    tpu.enqueue_dma source(%dma_start3A_185 : memref<3x96xi32, #tpu.memory_space<hbm>>) target(%arg7 : memref<3x96xi32, #tpu.memory_space<vmem>>) target_semaphore(%arg17 : memref<!tpu.dma_semaphore, #tpu.memory_space<semaphore_mem>>)
    %sub3A = arith.constant 1 : i32
    %sub3A_186 = arith.subi %select_n3A, %sub3A : i32
    %jit3A_187 = arith.constant 2 : i32
    %div3A = arith.divsi %sub3A_186, %jit3A_187 : i32
    %sign3A = arith.constant 0 : i32
    %sign3A_188 = arith.cmpi sgt, %sub3A_186, %sign3A : i32
    %sign3A_189 = arith.extui %sign3A_188 : i1 to i32
    %sign3A_190 = arith.constant 0 : i32
    %sign3A_191 = arith.cmpi slt, %sub3A_186, %sign3A_190 : i32
    %sign3A_192 = arith.extui %sign3A_191 : i1 to i32
    %sign3A_193 = arith.subi %sign3A_189, %sign3A_192 : i32
    %sign3A_194 = arith.constant 0 : i32
    %sign3A_195 = arith.cmpi sgt, %jit3A_187, %sign3A_194 : i32
    %sign3A_196 = arith.extui %sign3A_195 : i1 to i32
    %sign3A_197 = arith.constant 0 : i32
    %sign3A_198 = arith.cmpi slt, %jit3A_187, %sign3A_197 : i32
    %sign3A_199 = arith.extui %sign3A_198 : i1 to i32
    %sign3A_200 = arith.subi %sign3A_196, %sign3A_199 : i32
    %ne3A = arith.cmpi ne, %sign3A_193, %sign3A_200 : i32
    %rem3A = arith.remsi %sub3A_186, %jit3A_187 : i32
    %ne3A_201 = arith.constant 0 : i32
    %ne3A_202 = arith.cmpi ne, %rem3A, %ne3A_201 : i32
    %and3A = arith.andi %ne3A, %ne3A_202 : i1
    %sub3A_203 = arith.constant 1 : i32
    %sub3A_204 = arith.subi %div3A, %sub3A_203 : i32
    %select_n3A_205 = arith.select %and3A, %sub3A_204, %div3A : i32
    %while3A = arith.constant 0 : i32
    %while3A_206 = arith.constant 0 : i32
    %while3A_207 = arith.subi %select_n3A_205, %while3A_206 : i32
    %while3A_208 = arith.addi %while3A_206, %while3A_207 : i32
    %while3A_209 = arith.constant 1 : i32
    %while3A_210 = arith.divsi %while3A_207, %while3A_209 : i32
    %while3A_211 = arith.muli %while3A_210, %while3A_209 : i32
    %while3A_212 = arith.addi %while3A_206, %while3A_211 : i32
    %while3A_213 = arith.constant 1 : i32
    scf.for %while3A_247 = %while3A_206 to %while3A_212 step %while3A_213  : i32 {
      %mul3A_248 = arith.constant 2 : i32
      %mul3A_249 = arith.muli %mul3A_248, %while3A_247 : i32
      %add3A_250 = arith.constant 0 : i32
      %add3A_251 = arith.addi %mul3A_249, %add3A_250 : i32
      %add3A_252 = arith.addi %select_n3A_8, %add3A_251 : i32
      %add3A_253 = arith.constant 1 : i32
      %add3A_254 = arith.addi %add3A_252, %add3A_253 : i32
      %dma_wait3A_255 = arith.constant 0 : i32
      %dma_wait3A_256 = arith.constant 0 : i32
      %dma_wait3A_257 = tpu.memref_slice %arg3[%add3A_254, %dma_wait3A_255, %dma_wait3A_256] : memref<3424x3x96xi32, #tpu.memory_space<hbm>> -> memref<1x3x96xi32, #tpu.memory_space<hbm>>
      %dma_wait3A_258 = tpu.memref_squeeze %dma_wait3A_257 : memref<1x3x96xi32, #tpu.memory_space<hbm>> -> memref<3x96xi32, #tpu.memory_space<hbm>>
      %dma_wait3A_259 = arith.constant 0 : i32
      %dma_wait3A_260 = arith.constant 0 : i32
      %dma_wait3A_261 = tpu.memref_slice %arg3[%add3A_254, %dma_wait3A_259, %dma_wait3A_260] : memref<3424x3x96xi32, #tpu.memory_space<hbm>> -> memref<1x3x96xi32, #tpu.memory_space<hbm>>
      %dma_wait3A_262 = tpu.memref_squeeze %dma_wait3A_261 : memref<1x3x96xi32, #tpu.memory_space<hbm>> -> memref<3x96xi32, #tpu.memory_space<hbm>>
      tpu.wait_dma2 semaphore(%arg17 : memref<!tpu.dma_semaphore, #tpu.memory_space<semaphore_mem>>) src(%dma_wait3A_262 : memref<3x96xi32, #tpu.memory_space<hbm>>) dst(%arg7 : memref<3x96xi32, #tpu.memory_space<vmem>>)
      %dma_start3A_263 = arith.constant 0 : i32
      %dma_start3A_264 = arith.constant 0 : i32
      %dma_start3A_265 = tpu.memref_slice %arg7[%dma_start3A_263, %dma_start3A_264] : memref<3x96xi32, #tpu.memory_space<vmem>> -> memref<1x96xi32, #tpu.memory_space<vmem>>
      %dma_start3A_266 = tpu.memref_squeeze %dma_start3A_265 : memref<1x96xi32, #tpu.memory_space<vmem>> -> memref<96xi32, #tpu.memory_space<vmem>>
      %dma_start3A_267 = arith.constant 0 : i32
      %dma_start3A_268 = arith.constant 0 : i32
      %dma_start3A_269 = tpu.memref_slice %arg2[%dma_start3A_267, %dma_start3A_268] : memref<10000x128xf32, #tpu.memory_space<hbm>> -> memref<10000x128xf32, #tpu.memory_space<hbm>>
      tpu.enqueue_indirect_dma source(%dma_start3A_269 : memref<10000x128xf32, #tpu.memory_space<hbm>>) target(%arg9 : memref<96x128xf32, #tpu.memory_space<vmem>>) offsets(%dma_start3A_266 : memref<96xi32, #tpu.memory_space<vmem>>) semaphore(%arg15 : memref<!tpu.dma_semaphore, #tpu.memory_space<semaphore_mem>>)
      %dma_wait3A_270 = arith.constant 0 : i32
      %dma_wait3A_271 = arith.constant 0 : i32
      %dma_wait3A_272 = tpu.memref_slice %arg6[%dma_wait3A_270, %dma_wait3A_271] : memref<3x96xi32, #tpu.memory_space<vmem>> -> memref<1x96xi32, #tpu.memory_space<vmem>>
      %dma_wait3A_273 = tpu.memref_squeeze %dma_wait3A_272 : memref<1x96xi32, #tpu.memory_space<vmem>> -> memref<96xi32, #tpu.memory_space<vmem>>
      %dma_wait3A_274 = arith.constant 0 : i32
      %dma_wait3A_275 = arith.constant 0 : i32
      %dma_wait3A_276 = tpu.memref_slice %arg2[%dma_wait3A_274, %dma_wait3A_275] : memref<10000x128xf32, #tpu.memory_space<hbm>> -> memref<10000x128xf32, #tpu.memory_space<hbm>>
      tpu.wait_indirect_dma semaphore(%arg14 : memref<!tpu.dma_semaphore, #tpu.memory_space<semaphore_mem>>) src(%dma_wait3A_276 : memref<10000x128xf32, #tpu.memory_space<hbm>>) dst(%arg8 : memref<96x128xf32, #tpu.memory_space<vmem>>)
      %run_scoped3A_277 = arith.constant 1 : i32
      "tpu.region"() ({
        %run_scoped3A_337 = tpu.sem_alloc : memref<!tpu.dma_semaphore, #tpu.memory_space<semaphore_mem>>
        %dma_start3A_338 = arith.constant 0 : i32
        %dma_start3A_339 = tpu.memref_slice %arg6[%run_scoped3A_277, %dma_start3A_338] : memref<3x96xi32, #tpu.memory_space<vmem>> -> memref<1x96xi32, #tpu.memory_space<vmem>>
        %dma_start3A_340 = tpu.memref_squeeze %dma_start3A_339 : memref<1x96xi32, #tpu.memory_space<vmem>> -> memref<96xi32, #tpu.memory_space<vmem>>
        %dma_start3A_341 = arith.constant 0 : i32
        %dma_start3A_342 = arith.constant 0 : i32
        %dma_start3A_343 = tpu.memref_slice %arg12[%dma_start3A_341, %dma_start3A_342] : memref<10112x128xf32, #tpu.memory_space<vmem_shared>> -> memref<10112x128xf32, #tpu.memory_space<vmem_shared>>
        tpu.enqueue_indirect_dma source(%arg8 : memref<96x128xf32, #tpu.memory_space<vmem>>) target(%dma_start3A_343 : memref<10112x128xf32, #tpu.memory_space<vmem_shared>>) offsets(%dma_start3A_340 : memref<96xi32, #tpu.memory_space<vmem>>) semaphore(%run_scoped3A_337 : memref<!tpu.dma_semaphore, #tpu.memory_space<semaphore_mem>>) {add = true}
        %dma_wait3A_344 = arith.constant 0 : i32
        %dma_wait3A_345 = tpu.memref_slice %arg6[%run_scoped3A_277, %dma_wait3A_344] : memref<3x96xi32, #tpu.memory_space<vmem>> -> memref<1x96xi32, #tpu.memory_space<vmem>>
        %dma_wait3A_346 = tpu.memref_squeeze %dma_wait3A_345 : memref<1x96xi32, #tpu.memory_space<vmem>> -> memref<96xi32, #tpu.memory_space<vmem>>
        %dma_wait3A_347 = arith.constant 0 : i32
        %dma_wait3A_348 = arith.constant 0 : i32
        %dma_wait3A_349 = tpu.memref_slice %arg12[%dma_wait3A_347, %dma_wait3A_348] : memref<10112x128xf32, #tpu.memory_space<vmem_shared>> -> memref<10112x128xf32, #tpu.memory_space<vmem_shared>>
        tpu.wait_indirect_dma semaphore(%run_scoped3A_337 : memref<!tpu.dma_semaphore, #tpu.memory_space<semaphore_mem>>) src(%arg8 : memref<96x128xf32, #tpu.memory_space<vmem>>) dst(%dma_wait3A_349 : memref<10112x128xf32, #tpu.memory_space<vmem_shared>>)
        tpu.yield
      }) : () -> ()
      %run_scoped3A_278 = arith.constant 2 : i32
      "tpu.region"() ({
        %run_scoped3A_337 = tpu.sem_alloc : memref<!tpu.dma_semaphore, #tpu.memory_space<semaphore_mem>>
        %dma_start3A_338 = arith.constant 0 : i32
        %dma_start3A_339 = tpu.memref_slice %arg6[%run_scoped3A_278, %dma_start3A_338] : memref<3x96xi32, #tpu.memory_space<vmem>> -> memref<1x96xi32, #tpu.memory_space<vmem>>
        %dma_start3A_340 = tpu.memref_squeeze %dma_start3A_339 : memref<1x96xi32, #tpu.memory_space<vmem>> -> memref<96xi32, #tpu.memory_space<vmem>>
        %dma_start3A_341 = arith.constant 0 : i32
        %dma_start3A_342 = tpu.memref_slice %arg13[%dma_start3A_341] : memref<360448xf32, #tpu.memory_space<vmem_shared>> -> memref<360448xf32, #tpu.memory_space<vmem_shared>>
        tpu.enqueue_indirect_dma source(%arg10 : memref<96xf32, #tpu.memory_space<vmem>>) target(%dma_start3A_342 : memref<360448xf32, #tpu.memory_space<vmem_shared>>) offsets(%dma_start3A_340 : memref<96xi32, #tpu.memory_space<vmem>>) semaphore(%run_scoped3A_337 : memref<!tpu.dma_semaphore, #tpu.memory_space<semaphore_mem>>) {add = true}
        %dma_wait3A_343 = arith.constant 0 : i32
        %dma_wait3A_344 = tpu.memref_slice %arg6[%run_scoped3A_278, %dma_wait3A_343] : memref<3x96xi32, #tpu.memory_space<vmem>> -> memref<1x96xi32, #tpu.memory_space<vmem>>
        %dma_wait3A_345 = tpu.memref_squeeze %dma_wait3A_344 : memref<1x96xi32, #tpu.memory_space<vmem>> -> memref<96xi32, #tpu.memory_space<vmem>>
        %dma_wait3A_346 = arith.constant 0 : i32
        %dma_wait3A_347 = tpu.memref_slice %arg13[%dma_wait3A_346] : memref<360448xf32, #tpu.memory_space<vmem_shared>> -> memref<360448xf32, #tpu.memory_space<vmem_shared>>
        tpu.wait_indirect_dma semaphore(%run_scoped3A_337 : memref<!tpu.dma_semaphore, #tpu.memory_space<semaphore_mem>>) src(%arg10 : memref<96xf32, #tpu.memory_space<vmem>>) dst(%dma_wait3A_347 : memref<360448xf32, #tpu.memory_space<vmem_shared>>)
        tpu.yield
      }) : () -> ()
      %add3A_279 = arith.constant 2 : i32
      %add3A_280 = arith.addi %add3A_251, %add3A_279 : i32
      %sub3A_281 = arith.constant 1 : i32
      %sub3A_282 = arith.subi %select_n3A, %sub3A_281 : i32
      %min3A = arith.minsi %add3A_280, %sub3A_282 : i32
      %add3A_283 = arith.addi %select_n3A_8, %min3A : i32
      %dma_start3A_284 = arith.constant 0 : i32
      %dma_start3A_285 = arith.constant 0 : i32
      %dma_start3A_286 = tpu.memref_slice %arg3[%add3A_283, %dma_start3A_284, %dma_start3A_285] : memref<3424x3x96xi32, #tpu.memory_space<hbm>> -> memref<1x3x96xi32, #tpu.memory_space<hbm>>
      %dma_start3A_287 = tpu.memref_squeeze %dma_start3A_286 : memref<1x3x96xi32, #tpu.memory_space<hbm>> -> memref<3x96xi32, #tpu.memory_space<hbm>>
      %dma_start3A_288 = arith.constant 0 : i32
      %dma_start3A_289 = arith.constant 0 : i32
      %dma_start3A_290 = tpu.memref_slice %arg3[%add3A_283, %dma_start3A_288, %dma_start3A_289] : memref<3424x3x96xi32, #tpu.memory_space<hbm>> -> memref<1x3x96xi32, #tpu.memory_space<hbm>>
      %dma_start3A_291 = tpu.memref_squeeze %dma_start3A_290 : memref<1x3x96xi32, #tpu.memory_space<hbm>> -> memref<3x96xi32, #tpu.memory_space<hbm>>
      tpu.enqueue_dma source(%dma_start3A_291 : memref<3x96xi32, #tpu.memory_space<hbm>>) target(%arg6 : memref<3x96xi32, #tpu.memory_space<vmem>>) target_semaphore(%arg16 : memref<!tpu.dma_semaphore, #tpu.memory_space<semaphore_mem>>)
      %mul3A_292 = arith.constant 2 : i32
      %mul3A_293 = arith.muli %mul3A_292, %while3A_247 : i32
      %add3A_294 = arith.constant 1 : i32
      %add3A_295 = arith.addi %mul3A_293, %add3A_294 : i32
      %add3A_296 = arith.addi %select_n3A_8, %add3A_295 : i32
      %add3A_297 = arith.constant 1 : i32
      %add3A_298 = arith.addi %add3A_296, %add3A_297 : i32
      %dma_wait3A_299 = arith.constant 0 : i32
      %dma_wait3A_300 = arith.constant 0 : i32
      %dma_wait3A_301 = tpu.memref_slice %arg3[%add3A_298, %dma_wait3A_299, %dma_wait3A_300] : memref<3424x3x96xi32, #tpu.memory_space<hbm>> -> memref<1x3x96xi32, #tpu.memory_space<hbm>>
      %dma_wait3A_302 = tpu.memref_squeeze %dma_wait3A_301 : memref<1x3x96xi32, #tpu.memory_space<hbm>> -> memref<3x96xi32, #tpu.memory_space<hbm>>
      %dma_wait3A_303 = arith.constant 0 : i32
      %dma_wait3A_304 = arith.constant 0 : i32
      %dma_wait3A_305 = tpu.memref_slice %arg3[%add3A_298, %dma_wait3A_303, %dma_wait3A_304] : memref<3424x3x96xi32, #tpu.memory_space<hbm>> -> memref<1x3x96xi32, #tpu.memory_space<hbm>>
      %dma_wait3A_306 = tpu.memref_squeeze %dma_wait3A_305 : memref<1x3x96xi32, #tpu.memory_space<hbm>> -> memref<3x96xi32, #tpu.memory_space<hbm>>
      tpu.wait_dma2 semaphore(%arg16 : memref<!tpu.dma_semaphore, #tpu.memory_space<semaphore_mem>>) src(%dma_wait3A_306 : memref<3x96xi32, #tpu.memory_space<hbm>>) dst(%arg6 : memref<3x96xi32, #tpu.memory_space<vmem>>)
      %dma_start3A_307 = arith.constant 0 : i32
      %dma_start3A_308 = arith.constant 0 : i32
      %dma_start3A_309 = tpu.memref_slice %arg6[%dma_start3A_307, %dma_start3A_308] : memref<3x96xi32, #tpu.memory_space<vmem>> -> memref<1x96xi32, #tpu.memory_space<vmem>>
      %dma_start3A_310 = tpu.memref_squeeze %dma_start3A_309 : memref<1x96xi32, #tpu.memory_space<vmem>> -> memref<96xi32, #tpu.memory_space<vmem>>
      %dma_start3A_311 = arith.constant 0 : i32
      %dma_start3A_312 = arith.constant 0 : i32
      %dma_start3A_313 = tpu.memref_slice %arg2[%dma_start3A_311, %dma_start3A_312] : memref<10000x128xf32, #tpu.memory_space<hbm>> -> memref<10000x128xf32, #tpu.memory_space<hbm>>
      tpu.enqueue_indirect_dma source(%dma_start3A_313 : memref<10000x128xf32, #tpu.memory_space<hbm>>) target(%arg8 : memref<96x128xf32, #tpu.memory_space<vmem>>) offsets(%dma_start3A_310 : memref<96xi32, #tpu.memory_space<vmem>>) semaphore(%arg14 : memref<!tpu.dma_semaphore, #tpu.memory_space<semaphore_mem>>)
      %dma_wait3A_314 = arith.constant 0 : i32
      %dma_wait3A_315 = arith.constant 0 : i32
      %dma_wait3A_316 = tpu.memref_slice %arg7[%dma_wait3A_314, %dma_wait3A_315] : memref<3x96xi32, #tpu.memory_space<vmem>> -> memref<1x96xi32, #tpu.memory_space<vmem>>
      %dma_wait3A_317 = tpu.memref_squeeze %dma_wait3A_316 : memref<1x96xi32, #tpu.memory_space<vmem>> -> memref<96xi32, #tpu.memory_space<vmem>>
      %dma_wait3A_318 = arith.constant 0 : i32
      %dma_wait3A_319 = arith.constant 0 : i32
      %dma_wait3A_320 = tpu.memref_slice %arg2[%dma_wait3A_318, %dma_wait3A_319] : memref<10000x128xf32, #tpu.memory_space<hbm>> -> memref<10000x128xf32, #tpu.memory_space<hbm>>
      tpu.wait_indirect_dma semaphore(%arg15 : memref<!tpu.dma_semaphore, #tpu.memory_space<semaphore_mem>>) src(%dma_wait3A_320 : memref<10000x128xf32, #tpu.memory_space<hbm>>) dst(%arg9 : memref<96x128xf32, #tpu.memory_space<vmem>>)
      %run_scoped3A_321 = arith.constant 1 : i32
      "tpu.region"() ({
        %run_scoped3A_337 = tpu.sem_alloc : memref<!tpu.dma_semaphore, #tpu.memory_space<semaphore_mem>>
        %dma_start3A_338 = arith.constant 0 : i32
        %dma_start3A_339 = tpu.memref_slice %arg7[%run_scoped3A_321, %dma_start3A_338] : memref<3x96xi32, #tpu.memory_space<vmem>> -> memref<1x96xi32, #tpu.memory_space<vmem>>
        %dma_start3A_340 = tpu.memref_squeeze %dma_start3A_339 : memref<1x96xi32, #tpu.memory_space<vmem>> -> memref<96xi32, #tpu.memory_space<vmem>>
        %dma_start3A_341 = arith.constant 0 : i32
        %dma_start3A_342 = arith.constant 0 : i32
        %dma_start3A_343 = tpu.memref_slice %arg12[%dma_start3A_341, %dma_start3A_342] : memref<10112x128xf32, #tpu.memory_space<vmem_shared>> -> memref<10112x128xf32, #tpu.memory_space<vmem_shared>>
        tpu.enqueue_indirect_dma source(%arg9 : memref<96x128xf32, #tpu.memory_space<vmem>>) target(%dma_start3A_343 : memref<10112x128xf32, #tpu.memory_space<vmem_shared>>) offsets(%dma_start3A_340 : memref<96xi32, #tpu.memory_space<vmem>>) semaphore(%run_scoped3A_337 : memref<!tpu.dma_semaphore, #tpu.memory_space<semaphore_mem>>) {add = true}
        %dma_wait3A_344 = arith.constant 0 : i32
        %dma_wait3A_345 = tpu.memref_slice %arg7[%run_scoped3A_321, %dma_wait3A_344] : memref<3x96xi32, #tpu.memory_space<vmem>> -> memref<1x96xi32, #tpu.memory_space<vmem>>
        %dma_wait3A_346 = tpu.memref_squeeze %dma_wait3A_345 : memref<1x96xi32, #tpu.memory_space<vmem>> -> memref<96xi32, #tpu.memory_space<vmem>>
        %dma_wait3A_347 = arith.constant 0 : i32
        %dma_wait3A_348 = arith.constant 0 : i32
        %dma_wait3A_349 = tpu.memref_slice %arg12[%dma_wait3A_347, %dma_wait3A_348] : memref<10112x128xf32, #tpu.memory_space<vmem_shared>> -> memref<10112x128xf32, #tpu.memory_space<vmem_shared>>
        tpu.wait_indirect_dma semaphore(%run_scoped3A_337 : memref<!tpu.dma_semaphore, #tpu.memory_space<semaphore_mem>>) src(%arg9 : memref<96x128xf32, #tpu.memory_space<vmem>>) dst(%dma_wait3A_349 : memref<10112x128xf32, #tpu.memory_space<vmem_shared>>)
        tpu.yield
      }) : () -> ()
      %run_scoped3A_322 = arith.constant 2 : i32
      "tpu.region"() ({
        %run_scoped3A_337 = tpu.sem_alloc : memref<!tpu.dma_semaphore, #tpu.memory_space<semaphore_mem>>
        %dma_start3A_338 = arith.constant 0 : i32
        %dma_start3A_339 = tpu.memref_slice %arg7[%run_scoped3A_322, %dma_start3A_338] : memref<3x96xi32, #tpu.memory_space<vmem>> -> memref<1x96xi32, #tpu.memory_space<vmem>>
        %dma_start3A_340 = tpu.memref_squeeze %dma_start3A_339 : memref<1x96xi32, #tpu.memory_space<vmem>> -> memref<96xi32, #tpu.memory_space<vmem>>
        %dma_start3A_341 = arith.constant 0 : i32
        %dma_start3A_342 = tpu.memref_slice %arg13[%dma_start3A_341] : memref<360448xf32, #tpu.memory_space<vmem_shared>> -> memref<360448xf32, #tpu.memory_space<vmem_shared>>
        tpu.enqueue_indirect_dma source(%arg10 : memref<96xf32, #tpu.memory_space<vmem>>) target(%dma_start3A_342 : memref<360448xf32, #tpu.memory_space<vmem_shared>>) offsets(%dma_start3A_340 : memref<96xi32, #tpu.memory_space<vmem>>) semaphore(%run_scoped3A_337 : memref<!tpu.dma_semaphore, #tpu.memory_space<semaphore_mem>>) {add = true}
        %dma_wait3A_343 = arith.constant 0 : i32
        %dma_wait3A_344 = tpu.memref_slice %arg7[%run_scoped3A_322, %dma_wait3A_343] : memref<3x96xi32, #tpu.memory_space<vmem>> -> memref<1x96xi32, #tpu.memory_space<vmem>>
        %dma_wait3A_345 = tpu.memref_squeeze %dma_wait3A_344 : memref<1x96xi32, #tpu.memory_space<vmem>> -> memref<96xi32, #tpu.memory_space<vmem>>
        %dma_wait3A_346 = arith.constant 0 : i32
        %dma_wait3A_347 = tpu.memref_slice %arg13[%dma_wait3A_346] : memref<360448xf32, #tpu.memory_space<vmem_shared>> -> memref<360448xf32, #tpu.memory_space<vmem_shared>>
        tpu.wait_indirect_dma semaphore(%run_scoped3A_337 : memref<!tpu.dma_semaphore, #tpu.memory_space<semaphore_mem>>) src(%arg10 : memref<96xf32, #tpu.memory_space<vmem>>) dst(%dma_wait3A_347 : memref<360448xf32, #tpu.memory_space<vmem_shared>>)
        tpu.yield
      }) : () -> ()
      %add3A_323 = arith.constant 2 : i32
      %add3A_324 = arith.addi %add3A_295, %add3A_323 : i32
      %sub3A_325 = arith.constant 1 : i32
      %sub3A_326 = arith.subi %select_n3A, %sub3A_325 : i32
      %min3A_327 = arith.minsi %add3A_324, %sub3A_326 : i32
      %add3A_328 = arith.addi %select_n3A_8, %min3A_327 : i32
      %dma_start3A_329 = arith.constant 0 : i32
      %dma_start3A_330 = arith.constant 0 : i32
      %dma_start3A_331 = tpu.memref_slice %arg3[%add3A_328, %dma_start3A_329, %dma_start3A_330] : memref<3424x3x96xi32, #tpu.memory_space<hbm>> -> memref<1x3x96xi32, #tpu.memory_space<hbm>>
      %dma_start3A_332 = tpu.memref_squeeze %dma_start3A_331 : memref<1x3x96xi32, #tpu.memory_space<hbm>> -> memref<3x96xi32, #tpu.memory_space<hbm>>
      %dma_start3A_333 = arith.constant 0 : i32
      %dma_start3A_334 = arith.constant 0 : i32
      %dma_start3A_335 = tpu.memref_slice %arg3[%add3A_328, %dma_start3A_333, %dma_start3A_334] : memref<3424x3x96xi32, #tpu.memory_space<hbm>> -> memref<1x3x96xi32, #tpu.memory_space<hbm>>
      %dma_start3A_336 = tpu.memref_squeeze %dma_start3A_335 : memref<1x3x96xi32, #tpu.memory_space<hbm>> -> memref<3x96xi32, #tpu.memory_space<hbm>>
      tpu.enqueue_dma source(%dma_start3A_336 : memref<3x96xi32, #tpu.memory_space<hbm>>) target(%arg7 : memref<3x96xi32, #tpu.memory_space<vmem>>) target_semaphore(%arg17 : memref<!tpu.dma_semaphore, #tpu.memory_space<semaphore_mem>>)
    }
    %while3A_214 = arith.constant 1 : i32
    scf.for %while3A_247 = %while3A_212 to %while3A_208 step %while3A_214  : i32 {
      %mul3A_248 = arith.constant 2 : i32
      %mul3A_249 = arith.muli %mul3A_248, %while3A_247 : i32
      %add3A_250 = arith.constant 0 : i32
      %add3A_251 = arith.addi %mul3A_249, %add3A_250 : i32
      %add3A_252 = arith.addi %select_n3A_8, %add3A_251 : i32
      %add3A_253 = arith.constant 1 : i32
      %add3A_254 = arith.addi %add3A_252, %add3A_253 : i32
      %dma_wait3A_255 = arith.constant 0 : i32
      %dma_wait3A_256 = arith.constant 0 : i32
      %dma_wait3A_257 = tpu.memref_slice %arg3[%add3A_254, %dma_wait3A_255, %dma_wait3A_256] : memref<3424x3x96xi32, #tpu.memory_space<hbm>> -> memref<1x3x96xi32, #tpu.memory_space<hbm>>
      %dma_wait3A_258 = tpu.memref_squeeze %dma_wait3A_257 : memref<1x3x96xi32, #tpu.memory_space<hbm>> -> memref<3x96xi32, #tpu.memory_space<hbm>>
      %dma_wait3A_259 = arith.constant 0 : i32
      %dma_wait3A_260 = arith.constant 0 : i32
      %dma_wait3A_261 = tpu.memref_slice %arg3[%add3A_254, %dma_wait3A_259, %dma_wait3A_260] : memref<3424x3x96xi32, #tpu.memory_space<hbm>> -> memref<1x3x96xi32, #tpu.memory_space<hbm>>
      %dma_wait3A_262 = tpu.memref_squeeze %dma_wait3A_261 : memref<1x3x96xi32, #tpu.memory_space<hbm>> -> memref<3x96xi32, #tpu.memory_space<hbm>>
      tpu.wait_dma2 semaphore(%arg17 : memref<!tpu.dma_semaphore, #tpu.memory_space<semaphore_mem>>) src(%dma_wait3A_262 : memref<3x96xi32, #tpu.memory_space<hbm>>) dst(%arg7 : memref<3x96xi32, #tpu.memory_space<vmem>>)
      %dma_start3A_263 = arith.constant 0 : i32
      %dma_start3A_264 = arith.constant 0 : i32
      %dma_start3A_265 = tpu.memref_slice %arg7[%dma_start3A_263, %dma_start3A_264] : memref<3x96xi32, #tpu.memory_space<vmem>> -> memref<1x96xi32, #tpu.memory_space<vmem>>
      %dma_start3A_266 = tpu.memref_squeeze %dma_start3A_265 : memref<1x96xi32, #tpu.memory_space<vmem>> -> memref<96xi32, #tpu.memory_space<vmem>>
      %dma_start3A_267 = arith.constant 0 : i32
      %dma_start3A_268 = arith.constant 0 : i32
      %dma_start3A_269 = tpu.memref_slice %arg2[%dma_start3A_267, %dma_start3A_268] : memref<10000x128xf32, #tpu.memory_space<hbm>> -> memref<10000x128xf32, #tpu.memory_space<hbm>>
      tpu.enqueue_indirect_dma source(%dma_start3A_269 : memref<10000x128xf32, #tpu.memory_space<hbm>>) target(%arg9 : memref<96x128xf32, #tpu.memory_space<vmem>>) offsets(%dma_start3A_266 : memref<96xi32, #tpu.memory_space<vmem>>) semaphore(%arg15 : memref<!tpu.dma_semaphore, #tpu.memory_space<semaphore_mem>>)
      %dma_wait3A_270 = arith.constant 0 : i32
      %dma_wait3A_271 = arith.constant 0 : i32
      %dma_wait3A_272 = tpu.memref_slice %arg6[%dma_wait3A_270, %dma_wait3A_271] : memref<3x96xi32, #tpu.memory_space<vmem>> -> memref<1x96xi32, #tpu.memory_space<vmem>>
      %dma_wait3A_273 = tpu.memref_squeeze %dma_wait3A_272 : memref<1x96xi32, #tpu.memory_space<vmem>> -> memref<96xi32, #tpu.memory_space<vmem>>
      %dma_wait3A_274 = arith.constant 0 : i32
      %dma_wait3A_275 = arith.constant 0 : i32
      %dma_wait3A_276 = tpu.memref_slice %arg2[%dma_wait3A_274, %dma_wait3A_275] : memref<10000x128xf32, #tpu.memory_space<hbm>> -> memref<10000x128xf32, #tpu.memory_space<hbm>>
      tpu.wait_indirect_dma semaphore(%arg14 : memref<!tpu.dma_semaphore, #tpu.memory_space<semaphore_mem>>) src(%dma_wait3A_276 : memref<10000x128xf32, #tpu.memory_space<hbm>>) dst(%arg8 : memref<96x128xf32, #tpu.memory_space<vmem>>)
      %run_scoped3A_277 = arith.constant 1 : i32
      "tpu.region"() ({
        %run_scoped3A_337 = tpu.sem_alloc : memref<!tpu.dma_semaphore, #tpu.memory_space<semaphore_mem>>
        %dma_start3A_338 = arith.constant 0 : i32
        %dma_start3A_339 = tpu.memref_slice %arg6[%run_scoped3A_277, %dma_start3A_338] : memref<3x96xi32, #tpu.memory_space<vmem>> -> memref<1x96xi32, #tpu.memory_space<vmem>>
        %dma_start3A_340 = tpu.memref_squeeze %dma_start3A_339 : memref<1x96xi32, #tpu.memory_space<vmem>> -> memref<96xi32, #tpu.memory_space<vmem>>
        %dma_start3A_341 = arith.constant 0 : i32
        %dma_start3A_342 = arith.constant 0 : i32
        %dma_start3A_343 = tpu.memref_slice %arg12[%dma_start3A_341, %dma_start3A_342] : memref<10112x128xf32, #tpu.memory_space<vmem_shared>> -> memref<10112x128xf32, #tpu.memory_space<vmem_shared>>
        tpu.enqueue_indirect_dma source(%arg8 : memref<96x128xf32, #tpu.memory_space<vmem>>) target(%dma_start3A_343 : memref<10112x128xf32, #tpu.memory_space<vmem_shared>>) offsets(%dma_start3A_340 : memref<96xi32, #tpu.memory_space<vmem>>) semaphore(%run_scoped3A_337 : memref<!tpu.dma_semaphore, #tpu.memory_space<semaphore_mem>>) {add = true}
        %dma_wait3A_344 = arith.constant 0 : i32
        %dma_wait3A_345 = tpu.memref_slice %arg6[%run_scoped3A_277, %dma_wait3A_344] : memref<3x96xi32, #tpu.memory_space<vmem>> -> memref<1x96xi32, #tpu.memory_space<vmem>>
        %dma_wait3A_346 = tpu.memref_squeeze %dma_wait3A_345 : memref<1x96xi32, #tpu.memory_space<vmem>> -> memref<96xi32, #tpu.memory_space<vmem>>
        %dma_wait3A_347 = arith.constant 0 : i32
        %dma_wait3A_348 = arith.constant 0 : i32
        %dma_wait3A_349 = tpu.memref_slice %arg12[%dma_wait3A_347, %dma_wait3A_348] : memref<10112x128xf32, #tpu.memory_space<vmem_shared>> -> memref<10112x128xf32, #tpu.memory_space<vmem_shared>>
        tpu.wait_indirect_dma semaphore(%run_scoped3A_337 : memref<!tpu.dma_semaphore, #tpu.memory_space<semaphore_mem>>) src(%arg8 : memref<96x128xf32, #tpu.memory_space<vmem>>) dst(%dma_wait3A_349 : memref<10112x128xf32, #tpu.memory_space<vmem_shared>>)
        tpu.yield
      }) : () -> ()
      %run_scoped3A_278 = arith.constant 2 : i32
      "tpu.region"() ({
        %run_scoped3A_337 = tpu.sem_alloc : memref<!tpu.dma_semaphore, #tpu.memory_space<semaphore_mem>>
        %dma_start3A_338 = arith.constant 0 : i32
        %dma_start3A_339 = tpu.memref_slice %arg6[%run_scoped3A_278, %dma_start3A_338] : memref<3x96xi32, #tpu.memory_space<vmem>> -> memref<1x96xi32, #tpu.memory_space<vmem>>
        %dma_start3A_340 = tpu.memref_squeeze %dma_start3A_339 : memref<1x96xi32, #tpu.memory_space<vmem>> -> memref<96xi32, #tpu.memory_space<vmem>>
        %dma_start3A_341 = arith.constant 0 : i32
        %dma_start3A_342 = tpu.memref_slice %arg13[%dma_start3A_341] : memref<360448xf32, #tpu.memory_space<vmem_shared>> -> memref<360448xf32, #tpu.memory_space<vmem_shared>>
        tpu.enqueue_indirect_dma source(%arg10 : memref<96xf32, #tpu.memory_space<vmem>>) target(%dma_start3A_342 : memref<360448xf32, #tpu.memory_space<vmem_shared>>) offsets(%dma_start3A_340 : memref<96xi32, #tpu.memory_space<vmem>>) semaphore(%run_scoped3A_337 : memref<!tpu.dma_semaphore, #tpu.memory_space<semaphore_mem>>) {add = true}
        %dma_wait3A_343 = arith.constant 0 : i32
        %dma_wait3A_344 = tpu.memref_slice %arg6[%run_scoped3A_278, %dma_wait3A_343] : memref<3x96xi32, #tpu.memory_space<vmem>> -> memref<1x96xi32, #tpu.memory_space<vmem>>
        %dma_wait3A_345 = tpu.memref_squeeze %dma_wait3A_344 : memref<1x96xi32, #tpu.memory_space<vmem>> -> memref<96xi32, #tpu.memory_space<vmem>>
        %dma_wait3A_346 = arith.constant 0 : i32
        %dma_wait3A_347 = tpu.memref_slice %arg13[%dma_wait3A_346] : memref<360448xf32, #tpu.memory_space<vmem_shared>> -> memref<360448xf32, #tpu.memory_space<vmem_shared>>
        tpu.wait_indirect_dma semaphore(%run_scoped3A_337 : memref<!tpu.dma_semaphore, #tpu.memory_space<semaphore_mem>>) src(%arg10 : memref<96xf32, #tpu.memory_space<vmem>>) dst(%dma_wait3A_347 : memref<360448xf32, #tpu.memory_space<vmem_shared>>)
        tpu.yield
      }) : () -> ()
      %add3A_279 = arith.constant 2 : i32
      %add3A_280 = arith.addi %add3A_251, %add3A_279 : i32
      %sub3A_281 = arith.constant 1 : i32
      %sub3A_282 = arith.subi %select_n3A, %sub3A_281 : i32
      %min3A = arith.minsi %add3A_280, %sub3A_282 : i32
      %add3A_283 = arith.addi %select_n3A_8, %min3A : i32
      %dma_start3A_284 = arith.constant 0 : i32
      %dma_start3A_285 = arith.constant 0 : i32
      %dma_start3A_286 = tpu.memref_slice %arg3[%add3A_283, %dma_start3A_284, %dma_start3A_285] : memref<3424x3x96xi32, #tpu.memory_space<hbm>> -> memref<1x3x96xi32, #tpu.memory_space<hbm>>
      %dma_start3A_287 = tpu.memref_squeeze %dma_start3A_286 : memref<1x3x96xi32, #tpu.memory_space<hbm>> -> memref<3x96xi32, #tpu.memory_space<hbm>>
      %dma_start3A_288 = arith.constant 0 : i32
      %dma_start3A_289 = arith.constant 0 : i32
      %dma_start3A_290 = tpu.memref_slice %arg3[%add3A_283, %dma_start3A_288, %dma_start3A_289] : memref<3424x3x96xi32, #tpu.memory_space<hbm>> -> memref<1x3x96xi32, #tpu.memory_space<hbm>>
      %dma_start3A_291 = tpu.memref_squeeze %dma_start3A_290 : memref<1x3x96xi32, #tpu.memory_space<hbm>> -> memref<3x96xi32, #tpu.memory_space<hbm>>
      tpu.enqueue_dma source(%dma_start3A_291 : memref<3x96xi32, #tpu.memory_space<hbm>>) target(%arg6 : memref<3x96xi32, #tpu.memory_space<vmem>>) target_semaphore(%arg16 : memref<!tpu.dma_semaphore, #tpu.memory_space<semaphore_mem>>)
      %mul3A_292 = arith.constant 2 : i32
      %mul3A_293 = arith.muli %mul3A_292, %while3A_247 : i32
      %add3A_294 = arith.constant 1 : i32
      %add3A_295 = arith.addi %mul3A_293, %add3A_294 : i32
      %add3A_296 = arith.addi %select_n3A_8, %add3A_295 : i32
      %add3A_297 = arith.constant 1 : i32
      %add3A_298 = arith.addi %add3A_296, %add3A_297 : i32
      %dma_wait3A_299 = arith.constant 0 : i32
      %dma_wait3A_300 = arith.constant 0 : i32
      %dma_wait3A_301 = tpu.memref_slice %arg3[%add3A_298, %dma_wait3A_299, %dma_wait3A_300] : memref<3424x3x96xi32, #tpu.memory_space<hbm>> -> memref<1x3x96xi32, #tpu.memory_space<hbm>>
      %dma_wait3A_302 = tpu.memref_squeeze %dma_wait3A_301 : memref<1x3x96xi32, #tpu.memory_space<hbm>> -> memref<3x96xi32, #tpu.memory_space<hbm>>
      %dma_wait3A_303 = arith.constant 0 : i32
      %dma_wait3A_304 = arith.constant 0 : i32
      %dma_wait3A_305 = tpu.memref_slice %arg3[%add3A_298, %dma_wait3A_303, %dma_wait3A_304] : memref<3424x3x96xi32, #tpu.memory_space<hbm>> -> memref<1x3x96xi32, #tpu.memory_space<hbm>>
      %dma_wait3A_306 = tpu.memref_squeeze %dma_wait3A_305 : memref<1x3x96xi32, #tpu.memory_space<hbm>> -> memref<3x96xi32, #tpu.memory_space<hbm>>
      tpu.wait_dma2 semaphore(%arg16 : memref<!tpu.dma_semaphore, #tpu.memory_space<semaphore_mem>>) src(%dma_wait3A_306 : memref<3x96xi32, #tpu.memory_space<hbm>>) dst(%arg6 : memref<3x96xi32, #tpu.memory_space<vmem>>)
      %dma_start3A_307 = arith.constant 0 : i32
      %dma_start3A_308 = arith.constant 0 : i32
      %dma_start3A_309 = tpu.memref_slice %arg6[%dma_start3A_307, %dma_start3A_308] : memref<3x96xi32, #tpu.memory_space<vmem>> -> memref<1x96xi32, #tpu.memory_space<vmem>>
      %dma_start3A_310 = tpu.memref_squeeze %dma_start3A_309 : memref<1x96xi32, #tpu.memory_space<vmem>> -> memref<96xi32, #tpu.memory_space<vmem>>
      %dma_start3A_311 = arith.constant 0 : i32
      %dma_start3A_312 = arith.constant 0 : i32
      %dma_start3A_313 = tpu.memref_slice %arg2[%dma_start3A_311, %dma_start3A_312] : memref<10000x128xf32, #tpu.memory_space<hbm>> -> memref<10000x128xf32, #tpu.memory_space<hbm>>
      tpu.enqueue_indirect_dma source(%dma_start3A_313 : memref<10000x128xf32, #tpu.memory_space<hbm>>) target(%arg8 : memref<96x128xf32, #tpu.memory_space<vmem>>) offsets(%dma_start3A_310 : memref<96xi32, #tpu.memory_space<vmem>>) semaphore(%arg14 : memref<!tpu.dma_semaphore, #tpu.memory_space<semaphore_mem>>)
      %dma_wait3A_314 = arith.constant 0 : i32
      %dma_wait3A_315 = arith.constant 0 : i32
      %dma_wait3A_316 = tpu.memref_slice %arg7[%dma_wait3A_314, %dma_wait3A_315] : memref<3x96xi32, #tpu.memory_space<vmem>> -> memref<1x96xi32, #tpu.memory_space<vmem>>
      %dma_wait3A_317 = tpu.memref_squeeze %dma_wait3A_316 : memref<1x96xi32, #tpu.memory_space<vmem>> -> memref<96xi32, #tpu.memory_space<vmem>>
      %dma_wait3A_318 = arith.constant 0 : i32
      %dma_wait3A_319 = arith.constant 0 : i32
      %dma_wait3A_320 = tpu.memref_slice %arg2[%dma_wait3A_318, %dma_wait3A_319] : memref<10000x128xf32, #tpu.memory_space<hbm>> -> memref<10000x128xf32, #tpu.memory_space<hbm>>
      tpu.wait_indirect_dma semaphore(%arg15 : memref<!tpu.dma_semaphore, #tpu.memory_space<semaphore_mem>>) src(%dma_wait3A_320 : memref<10000x128xf32, #tpu.memory_space<hbm>>) dst(%arg9 : memref<96x128xf32, #tpu.memory_space<vmem>>)
      %run_scoped3A_321 = arith.constant 1 : i32
      "tpu.region"() ({
        %run_scoped3A_337 = tpu.sem_alloc : memref<!tpu.dma_semaphore, #tpu.memory_space<semaphore_mem>>
        %dma_start3A_338 = arith.constant 0 : i32
        %dma_start3A_339 = tpu.memref_slice %arg7[%run_scoped3A_321, %dma_start3A_338] : memref<3x96xi32, #tpu.memory_space<vmem>> -> memref<1x96xi32, #tpu.memory_space<vmem>>
        %dma_start3A_340 = tpu.memref_squeeze %dma_start3A_339 : memref<1x96xi32, #tpu.memory_space<vmem>> -> memref<96xi32, #tpu.memory_space<vmem>>
        %dma_start3A_341 = arith.constant 0 : i32
        %dma_start3A_342 = arith.constant 0 : i32
        %dma_start3A_343 = tpu.memref_slice %arg12[%dma_start3A_341, %dma_start3A_342] : memref<10112x128xf32, #tpu.memory_space<vmem_shared>> -> memref<10112x128xf32, #tpu.memory_space<vmem_shared>>
        tpu.enqueue_indirect_dma source(%arg9 : memref<96x128xf32, #tpu.memory_space<vmem>>) target(%dma_start3A_343 : memref<10112x128xf32, #tpu.memory_space<vmem_shared>>) offsets(%dma_start3A_340 : memref<96xi32, #tpu.memory_space<vmem>>) semaphore(%run_scoped3A_337 : memref<!tpu.dma_semaphore, #tpu.memory_space<semaphore_mem>>) {add = true}
        %dma_wait3A_344 = arith.constant 0 : i32
        %dma_wait3A_345 = tpu.memref_slice %arg7[%run_scoped3A_321, %dma_wait3A_344] : memref<3x96xi32, #tpu.memory_space<vmem>> -> memref<1x96xi32, #tpu.memory_space<vmem>>
        %dma_wait3A_346 = tpu.memref_squeeze %dma_wait3A_345 : memref<1x96xi32, #tpu.memory_space<vmem>> -> memref<96xi32, #tpu.memory_space<vmem>>
        %dma_wait3A_347 = arith.constant 0 : i32
        %dma_wait3A_348 = arith.constant 0 : i32
        %dma_wait3A_349 = tpu.memref_slice %arg12[%dma_wait3A_347, %dma_wait3A_348] : memref<10112x128xf32, #tpu.memory_space<vmem_shared>> -> memref<10112x128xf32, #tpu.memory_space<vmem_shared>>
        tpu.wait_indirect_dma semaphore(%run_scoped3A_337 : memref<!tpu.dma_semaphore, #tpu.memory_space<semaphore_mem>>) src(%arg9 : memref<96x128xf32, #tpu.memory_space<vmem>>) dst(%dma_wait3A_349 : memref<10112x128xf32, #tpu.memory_space<vmem_shared>>)
        tpu.yield
      }) : () -> ()
      %run_scoped3A_322 = arith.constant 2 : i32
      "tpu.region"() ({
        %run_scoped3A_337 = tpu.sem_alloc : memref<!tpu.dma_semaphore, #tpu.memory_space<semaphore_mem>>
        %dma_start3A_338 = arith.constant 0 : i32
        %dma_start3A_339 = tpu.memref_slice %arg7[%run_scoped3A_322, %dma_start3A_338] : memref<3x96xi32, #tpu.memory_space<vmem>> -> memref<1x96xi32, #tpu.memory_space<vmem>>
        %dma_start3A_340 = tpu.memref_squeeze %dma_start3A_339 : memref<1x96xi32, #tpu.memory_space<vmem>> -> memref<96xi32, #tpu.memory_space<vmem>>
        %dma_start3A_341 = arith.constant 0 : i32
        %dma_start3A_342 = tpu.memref_slice %arg13[%dma_start3A_341] : memref<360448xf32, #tpu.memory_space<vmem_shared>> -> memref<360448xf32, #tpu.memory_space<vmem_shared>>
        tpu.enqueue_indirect_dma source(%arg10 : memref<96xf32, #tpu.memory_space<vmem>>) target(%dma_start3A_342 : memref<360448xf32, #tpu.memory_space<vmem_shared>>) offsets(%dma_start3A_340 : memref<96xi32, #tpu.memory_space<vmem>>) semaphore(%run_scoped3A_337 : memref<!tpu.dma_semaphore, #tpu.memory_space<semaphore_mem>>) {add = true}
        %dma_wait3A_343 = arith.constant 0 : i32
        %dma_wait3A_344 = tpu.memref_slice %arg7[%run_scoped3A_322, %dma_wait3A_343] : memref<3x96xi32, #tpu.memory_space<vmem>> -> memref<1x96xi32, #tpu.memory_space<vmem>>
        %dma_wait3A_345 = tpu.memref_squeeze %dma_wait3A_344 : memref<1x96xi32, #tpu.memory_space<vmem>> -> memref<96xi32, #tpu.memory_space<vmem>>
        %dma_wait3A_346 = arith.constant 0 : i32
        %dma_wait3A_347 = tpu.memref_slice %arg13[%dma_wait3A_346] : memref<360448xf32, #tpu.memory_space<vmem_shared>> -> memref<360448xf32, #tpu.memory_space<vmem_shared>>
        tpu.wait_indirect_dma semaphore(%run_scoped3A_337 : memref<!tpu.dma_semaphore, #tpu.memory_space<semaphore_mem>>) src(%arg10 : memref<96xf32, #tpu.memory_space<vmem>>) dst(%dma_wait3A_347 : memref<360448xf32, #tpu.memory_space<vmem_shared>>)
        tpu.yield
      }) : () -> ()
      %add3A_323 = arith.constant 2 : i32
      %add3A_324 = arith.addi %add3A_295, %add3A_323 : i32
      %sub3A_325 = arith.constant 1 : i32
      %sub3A_326 = arith.subi %select_n3A, %sub3A_325 : i32
      %min3A_327 = arith.minsi %add3A_324, %sub3A_326 : i32
      %add3A_328 = arith.addi %select_n3A_8, %min3A_327 : i32
      %dma_start3A_329 = arith.constant 0 : i32
      %dma_start3A_330 = arith.constant 0 : i32
      %dma_start3A_331 = tpu.memref_slice %arg3[%add3A_328, %dma_start3A_329, %dma_start3A_330] : memref<3424x3x96xi32, #tpu.memory_space<hbm>> -> memref<1x3x96xi32, #tpu.memory_space<hbm>>
      %dma_start3A_332 = tpu.memref_squeeze %dma_start3A_331 : memref<1x3x96xi32, #tpu.memory_space<hbm>> -> memref<3x96xi32, #tpu.memory_space<hbm>>
      %dma_start3A_333 = arith.constant 0 : i32
      %dma_start3A_334 = arith.constant 0 : i32
      %dma_start3A_335 = tpu.memref_slice %arg3[%add3A_328, %dma_start3A_333, %dma_start3A_334] : memref<3424x3x96xi32, #tpu.memory_space<hbm>> -> memref<1x3x96xi32, #tpu.memory_space<hbm>>
      %dma_start3A_336 = tpu.memref_squeeze %dma_start3A_335 : memref<1x3x96xi32, #tpu.memory_space<hbm>> -> memref<3x96xi32, #tpu.memory_space<hbm>>
      tpu.enqueue_dma source(%dma_start3A_336 : memref<3x96xi32, #tpu.memory_space<hbm>>) target(%arg7 : memref<3x96xi32, #tpu.memory_space<vmem>>) target_semaphore(%arg17 : memref<!tpu.dma_semaphore, #tpu.memory_space<semaphore_mem>>)
    }
    %add3A_215 = arith.addi %select_n3A_8, %select_n3A : i32
    %sub3A_216 = arith.constant 1 : i32
    %sub3A_217 = arith.subi %add3A_215, %sub3A_216 : i32
    %dma_wait3A = arith.constant 0 : i32
    %dma_wait3A_218 = arith.constant 0 : i32
    %dma_wait3A_219 = tpu.memref_slice %arg3[%sub3A_217, %dma_wait3A, %dma_wait3A_218] : memref<3424x3x96xi32, #tpu.memory_space<hbm>> -> memref<1x3x96xi32, #tpu.memory_space<hbm>>
    %dma_wait3A_220 = tpu.memref_squeeze %dma_wait3A_219 : memref<1x3x96xi32, #tpu.memory_space<hbm>> -> memref<3x96xi32, #tpu.memory_space<hbm>>
    %dma_wait3A_221 = arith.constant 0 : i32
    %dma_wait3A_222 = arith.constant 0 : i32
    %dma_wait3A_223 = tpu.memref_slice %arg3[%sub3A_217, %dma_wait3A_221, %dma_wait3A_222] : memref<3424x3x96xi32, #tpu.memory_space<hbm>> -> memref<1x3x96xi32, #tpu.memory_space<hbm>>
    %dma_wait3A_224 = tpu.memref_squeeze %dma_wait3A_223 : memref<1x3x96xi32, #tpu.memory_space<hbm>> -> memref<3x96xi32, #tpu.memory_space<hbm>>
    tpu.wait_dma2 semaphore(%arg17 : memref<!tpu.dma_semaphore, #tpu.memory_space<semaphore_mem>>) src(%dma_wait3A_224 : memref<3x96xi32, #tpu.memory_space<hbm>>) dst(%arg7 : memref<3x96xi32, #tpu.memory_space<vmem>>)
    %sub3A_225 = arith.constant 1 : i32
    %sub3A_226 = arith.subi %select_n3A, %sub3A_225 : i32
    %dma_wait3A_227 = arith.constant 0 : i32
    %dma_wait3A_228 = arith.constant 0 : i32
    %dma_wait3A_229 = tpu.memref_slice %arg6[%dma_wait3A_227, %dma_wait3A_228] : memref<3x96xi32, #tpu.memory_space<vmem>> -> memref<1x96xi32, #tpu.memory_space<vmem>>
    %dma_wait3A_230 = tpu.memref_squeeze %dma_wait3A_229 : memref<1x96xi32, #tpu.memory_space<vmem>> -> memref<96xi32, #tpu.memory_space<vmem>>
    %dma_wait3A_231 = arith.constant 0 : i32
    %dma_wait3A_232 = arith.constant 0 : i32
    %dma_wait3A_233 = tpu.memref_slice %arg2[%dma_wait3A_231, %dma_wait3A_232] : memref<10000x128xf32, #tpu.memory_space<hbm>> -> memref<10000x128xf32, #tpu.memory_space<hbm>>
    tpu.wait_indirect_dma semaphore(%arg14 : memref<!tpu.dma_semaphore, #tpu.memory_space<semaphore_mem>>) src(%dma_wait3A_233 : memref<10000x128xf32, #tpu.memory_space<hbm>>) dst(%arg8 : memref<96x128xf32, #tpu.memory_space<vmem>>)
    %run_scoped3A = arith.constant 1 : i32
    "tpu.region"() ({
      %run_scoped3A_247 = tpu.sem_alloc : memref<!tpu.dma_semaphore, #tpu.memory_space<semaphore_mem>>
      %dma_start3A_248 = arith.constant 0 : i32
      %dma_start3A_249 = tpu.memref_slice %arg6[%run_scoped3A, %dma_start3A_248] : memref<3x96xi32, #tpu.memory_space<vmem>> -> memref<1x96xi32, #tpu.memory_space<vmem>>
      %dma_start3A_250 = tpu.memref_squeeze %dma_start3A_249 : memref<1x96xi32, #tpu.memory_space<vmem>> -> memref<96xi32, #tpu.memory_space<vmem>>
      %dma_start3A_251 = arith.constant 0 : i32
      %dma_start3A_252 = arith.constant 0 : i32
      %dma_start3A_253 = tpu.memref_slice %arg12[%dma_start3A_251, %dma_start3A_252] : memref<10112x128xf32, #tpu.memory_space<vmem_shared>> -> memref<10112x128xf32, #tpu.memory_space<vmem_shared>>
      tpu.enqueue_indirect_dma source(%arg8 : memref<96x128xf32, #tpu.memory_space<vmem>>) target(%dma_start3A_253 : memref<10112x128xf32, #tpu.memory_space<vmem_shared>>) offsets(%dma_start3A_250 : memref<96xi32, #tpu.memory_space<vmem>>) semaphore(%run_scoped3A_247 : memref<!tpu.dma_semaphore, #tpu.memory_space<semaphore_mem>>) {add = true}
      %dma_wait3A_254 = arith.constant 0 : i32
      %dma_wait3A_255 = tpu.memref_slice %arg6[%run_scoped3A, %dma_wait3A_254] : memref<3x96xi32, #tpu.memory_space<vmem>> -> memref<1x96xi32, #tpu.memory_space<vmem>>
      %dma_wait3A_256 = tpu.memref_squeeze %dma_wait3A_255 : memref<1x96xi32, #tpu.memory_space<vmem>> -> memref<96xi32, #tpu.memory_space<vmem>>
      %dma_wait3A_257 = arith.constant 0 : i32
      %dma_wait3A_258 = arith.constant 0 : i32
      %dma_wait3A_259 = tpu.memref_slice %arg12[%dma_wait3A_257, %dma_wait3A_258] : memref<10112x128xf32, #tpu.memory_space<vmem_shared>> -> memref<10112x128xf32, #tpu.memory_space<vmem_shared>>
      tpu.wait_indirect_dma semaphore(%run_scoped3A_247 : memref<!tpu.dma_semaphore, #tpu.memory_space<semaphore_mem>>) src(%arg8 : memref<96x128xf32, #tpu.memory_space<vmem>>) dst(%dma_wait3A_259 : memref<10112x128xf32, #tpu.memory_space<vmem_shared>>)
      tpu.yield
    }) : () -> ()
    %run_scoped3A_234 = arith.constant 2 : i32
    "tpu.region"() ({
      %run_scoped3A_247 = tpu.sem_alloc : memref<!tpu.dma_semaphore, #tpu.memory_space<semaphore_mem>>
      %dma_start3A_248 = arith.constant 0 : i32
      %dma_start3A_249 = tpu.memref_slice %arg6[%run_scoped3A_234, %dma_start3A_248] : memref<3x96xi32, #tpu.memory_space<vmem>> -> memref<1x96xi32, #tpu.memory_space<vmem>>
      %dma_start3A_250 = tpu.memref_squeeze %dma_start3A_249 : memref<1x96xi32, #tpu.memory_space<vmem>> -> memref<96xi32, #tpu.memory_space<vmem>>
      %dma_start3A_251 = arith.constant 0 : i32
      %dma_start3A_252 = tpu.memref_slice %arg13[%dma_start3A_251] : memref<360448xf32, #tpu.memory_space<vmem_shared>> -> memref<360448xf32, #tpu.memory_space<vmem_shared>>
      tpu.enqueue_indirect_dma source(%arg10 : memref<96xf32, #tpu.memory_space<vmem>>) target(%dma_start3A_252 : memref<360448xf32, #tpu.memory_space<vmem_shared>>) offsets(%dma_start3A_250 : memref<96xi32, #tpu.memory_space<vmem>>) semaphore(%run_scoped3A_247 : memref<!tpu.dma_semaphore, #tpu.memory_space<semaphore_mem>>) {add = true}
      %dma_wait3A_253 = arith.constant 0 : i32
      %dma_wait3A_254 = tpu.memref_slice %arg6[%run_scoped3A_234, %dma_wait3A_253] : memref<3x96xi32, #tpu.memory_space<vmem>> -> memref<1x96xi32, #tpu.memory_space<vmem>>
      %dma_wait3A_255 = tpu.memref_squeeze %dma_wait3A_254 : memref<1x96xi32, #tpu.memory_space<vmem>> -> memref<96xi32, #tpu.memory_space<vmem>>
      %dma_wait3A_256 = arith.constant 0 : i32
      %dma_wait3A_257 = tpu.memref_slice %arg13[%dma_wait3A_256] : memref<360448xf32, #tpu.memory_space<vmem_shared>> -> memref<360448xf32, #tpu.memory_space<vmem_shared>>
      tpu.wait_indirect_dma semaphore(%run_scoped3A_247 : memref<!tpu.dma_semaphore, #tpu.memory_space<semaphore_mem>>) src(%arg10 : memref<96xf32, #tpu.memory_space<vmem>>) dst(%dma_wait3A_257 : memref<360448xf32, #tpu.memory_space<vmem_shared>>)
      tpu.yield
    }) : () -> ()
    %barrier3A_235 = arith.constant 0 : index
    tpu.barrier barrier_id(%barrier3A_235)
    %mul3A_236 = arith.constant 632 : i32
    %mul3A_237 = arith.muli %arg1, %mul3A_236 : i32
    %mul3A_238 = arith.constant 632 : i32
    %mul3A_239 = arith.muli %arg1, %mul3A_238 : i32
    "tpu.region"() ({
      %run_scoped3A_247 = tpu.sem_alloc : memref<!tpu.dma_semaphore, #tpu.memory_space<semaphore_mem>>
      %dma_start3A_248 = arith.constant 0 : i32
      %dma_start3A_249 = tpu.memref_slice %arg4[%arg0, %mul3A_239, %dma_start3A_248] : memref<2x10112x128xf32, #tpu.memory_space<hbm>> -> memref<1x632x128xf32, #tpu.memory_space<hbm>>
      %dma_start3A_250 = tpu.memref_squeeze %dma_start3A_249 : memref<1x632x128xf32, #tpu.memory_space<hbm>> -> memref<632x128xf32, #tpu.memory_space<hbm>>
      %dma_start3A_251 = arith.constant 0 : i32
      %dma_start3A_252 = tpu.memref_slice %arg12[%mul3A_237, %dma_start3A_251] : memref<10112x128xf32, #tpu.memory_space<vmem_shared>> -> memref<632x128xf32, #tpu.memory_space<vmem_shared>>
      tpu.enqueue_dma source(%dma_start3A_252 : memref<632x128xf32, #tpu.memory_space<vmem_shared>>) target(%dma_start3A_250 : memref<632x128xf32, #tpu.memory_space<hbm>>) target_semaphore(%run_scoped3A_247 : memref<!tpu.dma_semaphore, #tpu.memory_space<semaphore_mem>>)
      %dma_wait3A_253 = arith.constant 0 : i32
      %dma_wait3A_254 = tpu.memref_slice %arg4[%arg0, %mul3A_239, %dma_wait3A_253] : memref<2x10112x128xf32, #tpu.memory_space<hbm>> -> memref<1x632x128xf32, #tpu.memory_space<hbm>>
      %dma_wait3A_255 = tpu.memref_squeeze %dma_wait3A_254 : memref<1x632x128xf32, #tpu.memory_space<hbm>> -> memref<632x128xf32, #tpu.memory_space<hbm>>
      %dma_wait3A_256 = arith.constant 0 : i32
      %dma_wait3A_257 = tpu.memref_slice %arg12[%mul3A_237, %dma_wait3A_256] : memref<10112x128xf32, #tpu.memory_space<vmem_shared>> -> memref<632x128xf32, #tpu.memory_space<vmem_shared>>
      tpu.wait_dma2 semaphore(%run_scoped3A_247 : memref<!tpu.dma_semaphore, #tpu.memory_space<semaphore_mem>>) src(%dma_wait3A_257 : memref<632x128xf32, #tpu.memory_space<vmem_shared>>) dst(%dma_wait3A_255 : memref<632x128xf32, #tpu.memory_space<hbm>>)
      tpu.yield
    }) : () -> ()
    %mul3A_240 = arith.constant 22528 : i32
    %mul3A_241 = arith.muli %arg1, %mul3A_240 : i32
    %mul3A_242 = arith.constant 360448 : i32
    %mul3A_243 = arith.muli %arg0, %mul3A_242 : i32
    %mul3A_244 = arith.constant 22528 : i32
    %mul3A_245 = arith.muli %arg1, %mul3A_244 : i32
    %add3A_246 = arith.addi %mul3A_243, %mul3A_245 : i32
    "tpu.region"() ({
      %run_scoped3A_247 = tpu.sem_alloc : memref<!tpu.dma_semaphore, #tpu.memory_space<semaphore_mem>>
      %dma_start3A_248 = tpu.memref_slice %arg5[%add3A_246] : memref<720896xf32, #tpu.memory_space<hbm>> -> memref<22528xf32, #tpu.memory_space<hbm>>
      %dma_start3A_249 = tpu.memref_slice %arg13[%mul3A_241] : memref<360448xf32, #tpu.memory_space<vmem_shared>> -> memref<22528xf32, #tpu.memory_space<vmem_shared>>
      tpu.enqueue_dma source(%dma_start3A_249 : memref<22528xf32, #tpu.memory_space<vmem_shared>>) target(%dma_start3A_248 : memref<22528xf32, #tpu.memory_space<hbm>>) target_semaphore(%run_scoped3A_247 : memref<!tpu.dma_semaphore, #tpu.memory_space<semaphore_mem>>)
      %dma_wait3A_250 = tpu.memref_slice %arg5[%add3A_246] : memref<720896xf32, #tpu.memory_space<hbm>> -> memref<22528xf32, #tpu.memory_space<hbm>>
      %dma_wait3A_251 = tpu.memref_slice %arg13[%mul3A_241] : memref<360448xf32, #tpu.memory_space<vmem_shared>> -> memref<22528xf32, #tpu.memory_space<vmem_shared>>
      tpu.wait_dma2 semaphore(%run_scoped3A_247 : memref<!tpu.dma_semaphore, #tpu.memory_space<semaphore_mem>>) src(%dma_wait3A_251 : memref<22528xf32, #tpu.memory_space<vmem_shared>>) dst(%dma_wait3A_250 : memref<22528xf32, #tpu.memory_space<hbm>>)
      tpu.yield
    }) : () -> ()
    return
  }
}

module attributes {stable_mosaic.version = 14 : i64} {
  func.func @_tc_encode(%arg0: i32, %arg1: memref<1000x128xf32, #tpu.memory_space<vmem>>, %arg2: memref<128x128xf32, #tpu.memory_space<vmem>>, %arg3: memref<1x1xf32, #tpu.memory_space<vmem>>, %arg4: memref<1000x128xf32, #tpu.memory_space<vmem>>) attributes {dimension_semantics = [#tpu.dimension_semantics<arbitrary>], iteration_bounds = array<i64: 10>, scalar_prefetch = 0 : i64, scratch_operands = 0 : i64, tpu.core_type = #tpu.core_type<tc>, window_params = [{transform_indices = @transform_0, window_bounds = array<i64: 1000, 128>}, {pipeline_mode = #tpu.pipeline_mode<synchronous>, transform_indices = @transform_1, window_bounds = array<i64: 128, 128>}, {pipeline_mode = #tpu.pipeline_mode<synchronous>, transform_indices = @transform_2, window_bounds = array<i64: 1, 1>}, {transform_indices = @transform_3, window_bounds = array<i64: 1000, 128>}]} {
    %get3A = arith.constant 0 : index
    %get3A_0 = arith.constant 0 : index
    %get3A_1 = vector.load %arg1[%get3A, %get3A_0] : memref<1000x128xf32, #tpu.memory_space<vmem>>, vector<1000x128xf32>
    %max3A = arith.constant 0.000000e+00 : f32
    %max3A_2 = vector.broadcast %max3A : f32 to vector<1000x128xf32>
    %max3A_3 = arith.maximumf %get3A_1, %max3A_2 : vector<1000x128xf32>
    %get3A_4 = arith.constant 0 : index
    %get3A_5 = arith.constant 0 : index
    %get3A_6 = vector.load %arg3[%get3A_4, %get3A_5] : memref<1x1xf32, #tpu.memory_space<vmem>>, vector<1x1xf32>
    %get3A_7 = vector.extract %get3A_6[0, 0] : f32 from vector<1x1xf32>
    %min3A = arith.constant 0.000000e+00 : f32
    %min3A_8 = vector.broadcast %min3A : f32 to vector<1000x128xf32>
    %min3A_9 = arith.minimumf %get3A_1, %min3A_8 : vector<1000x128xf32>
    %mul3A = vector.broadcast %get3A_7 : f32 to vector<1000x128xf32>
    %mul3A_10 = arith.mulf %mul3A, %min3A_9 : vector<1000x128xf32>
    %add3A = arith.addf %max3A_3, %mul3A_10 : vector<1000x128xf32>
    %get3A_11 = arith.constant 0 : index
    %get3A_12 = arith.constant 0 : index
    %get3A_13 = vector.load %arg2[%get3A_11, %get3A_12] : memref<128x128xf32, #tpu.memory_space<vmem>>, vector<128x128xf32>
    %dot_general3A = arith.constant dense<0.000000e+00> : vector<1000x128xf32>
    %dot_general3A_14 = tpu.matmul %add3A, %get3A_13, %dot_general3A {dimension_numbers = #tpu.dot_dimension_numbers<[1], [1], [0], [0], [0, 0, 1, 0], [], []>, transpose_lhs_hint = false} : vector<1000x128xf32>, vector<128x128xf32>, vector<1000x128xf32> -> vector<1000x128xf32>
    %swap3A = arith.constant 0 : index
    %swap3A_15 = arith.constant 0 : index
    %swap3A_16 = vector.load %arg4[%swap3A, %swap3A_15] : memref<1000x128xf32, #tpu.memory_space<vmem>>, vector<1000x128xf32>
    tpu.vector_store %arg4[%swap3A, %swap3A_15], %dot_general3A_14 {strides = array<i32>} : memref<1000x128xf32, #tpu.memory_space<vmem>>, vector<1000x128xf32>,
    return
  }
  func.func @transform_0(%arg0: i32) -> (i32, i32) {
    %c0_i32 = arith.constant 0 : i32
    %c0_i32_0 = arith.constant 0 : i32
    return %arg0, %c0_i32 : i32, i32
  }
  func.func @transform_1(%arg0: i32) -> (i32, i32) {
    %c0_i32 = arith.constant 0 : i32
    %c0_i32_0 = arith.constant 0 : i32
    %c0_i32_1 = arith.constant 0 : i32
    return %c0_i32, %c0_i32_0 : i32, i32
  }
  func.func @transform_2(%arg0: i32) -> (i32, i32) {
    %c0_i32 = arith.constant 0 : i32
    %c0_i32_0 = arith.constant 0 : i32
    %c0_i32_1 = arith.constant 0 : i32
    return %c0_i32, %c0_i32_0 : i32, i32
  }
  func.func @transform_3(%arg0: i32) -> (i32, i32) {
    %c0_i32 = arith.constant 0 : i32
    %c0_i32_0 = arith.constant 0 : i32
    return %arg0, %c0_i32 : i32, i32
  }
}

module attributes {stable_mosaic.version = 14 : i64} {
  func.func @_tc_mlp(%arg0: i32, %arg1: memref<1000x128xf32, #tpu.memory_space<vmem>>, %arg2: memref<1000x128xf32, #tpu.memory_space<vmem>>, %arg3: memref<1000x128xf32, #tpu.memory_space<vmem>>, %arg4: memref<1000x36xf32, #tpu.memory_space<vmem>>, %arg5: memref<1000x36xf32, #tpu.memory_space<vmem>>, %arg6: memref<36x128xf32, #tpu.memory_space<vmem>>, %arg7: memref<1x128xf32, #tpu.memory_space<vmem>>, %arg8: memref<256x128xf32, #tpu.memory_space<vmem>>, %arg9: memref<1x256xf32, #tpu.memory_space<vmem>>, %arg10: memref<128x256xf32, #tpu.memory_space<vmem>>, %arg11: memref<1x128xf32, #tpu.memory_space<vmem>>, %arg12: memref<1000x128xf32, #tpu.memory_space<vmem>>) attributes {dimension_semantics = [#tpu.dimension_semantics<arbitrary>], iteration_bounds = array<i64: 10>, scalar_prefetch = 0 : i64, scratch_operands = 0 : i64, tpu.core_type = #tpu.core_type<tc>, window_params = [{transform_indices = @transform_0, window_bounds = array<i64: 1000, 128>}, {transform_indices = @transform_1, window_bounds = array<i64: 1000, 128>}, {transform_indices = @transform_2, window_bounds = array<i64: 1000, 128>}, {transform_indices = @transform_3, window_bounds = array<i64: 1000, 36>}, {transform_indices = @transform_4, window_bounds = array<i64: 1000, 36>}, {pipeline_mode = #tpu.pipeline_mode<synchronous>, transform_indices = @transform_5, window_bounds = array<i64: 36, 128>}, {pipeline_mode = #tpu.pipeline_mode<synchronous>, transform_indices = @transform_6, window_bounds = array<i64: 1, 128>}, {pipeline_mode = #tpu.pipeline_mode<synchronous>, transform_indices = @transform_7, window_bounds = array<i64: 256, 128>}, {pipeline_mode = #tpu.pipeline_mode<synchronous>, transform_indices = @transform_8, window_bounds = array<i64: 1, 256>}, {pipeline_mode = #tpu.pipeline_mode<synchronous>, transform_indices = @transform_9, window_bounds = array<i64: 128, 256>}, {pipeline_mode = #tpu.pipeline_mode<synchronous>, transform_indices = @transform_10, window_bounds = array<i64: 1, 128>}, {transform_indices = @transform_11, window_bounds = array<i64: 1000, 128>}]} {
    %get3A = arith.constant 0 : index
    %get3A_0 = arith.constant 0 : index
    %get3A_1 = vector.load %arg1[%get3A, %get3A_0] : memref<1000x128xf32, #tpu.memory_space<vmem>>, vector<1000x128xf32>
    %get3A_2 = arith.constant 0 : index
    %get3A_3 = arith.constant 0 : index
    %get3A_4 = vector.load %arg2[%get3A_2, %get3A_3] : memref<1000x128xf32, #tpu.memory_space<vmem>>, vector<1000x128xf32>
    %add3A = arith.addf %get3A_1, %get3A_4 : vector<1000x128xf32>
    %get3A_5 = arith.constant 0 : index
    %get3A_6 = arith.constant 0 : index
    %get3A_7 = vector.load %arg3[%get3A_5, %get3A_6] : memref<1000x128xf32, #tpu.memory_space<vmem>>, vector<1000x128xf32>
    %add3A_8 = arith.addf %add3A, %get3A_7 : vector<1000x128xf32>
    %get3A_9 = arith.constant 0 : index
    %get3A_10 = arith.constant 0 : index
    %get3A_11 = vector.load %arg7[%get3A_9, %get3A_10] : memref<1x128xf32, #tpu.memory_space<vmem>>, vector<1x128xf32>
    %add3A_12 = vector.broadcast %get3A_11 : vector<1x128xf32> to vector<1000x128xf32>
    %add3A_13 = arith.addf %add3A_8, %add3A_12 : vector<1000x128xf32>
    %get3A_14 = arith.constant 0 : index
    %get3A_15 = arith.constant 0 : index
    %get3A_16 = vector.load %arg4[%get3A_14, %get3A_15] : memref<1000x36xf32, #tpu.memory_space<vmem>>, vector<1000x36xf32>
    %get3A_17 = arith.constant 0 : index
    %get3A_18 = arith.constant 0 : index
    %get3A_19 = vector.load %arg5[%get3A_17, %get3A_18] : memref<1000x36xf32, #tpu.memory_space<vmem>>, vector<1000x36xf32>
    %add3A_20 = arith.addf %get3A_16, %get3A_19 : vector<1000x36xf32>
    %get3A_21 = arith.constant 0 : index
    %get3A_22 = arith.constant 0 : index
    %get3A_23 = vector.load %arg6[%get3A_21, %get3A_22] : memref<36x128xf32, #tpu.memory_space<vmem>>, vector<36x128xf32>
    %dot_general3A = arith.constant dense<0.000000e+00> : vector<1000x128xf32>
    %dot_general3A_24 = tpu.matmul %add3A_20, %get3A_23, %dot_general3A {dimension_numbers = #tpu.dot_dimension_numbers<[1], [0], [0], [1], [0, 0, 1, 1], [], []>, transpose_lhs_hint = false} : vector<1000x36xf32>, vector<36x128xf32>, vector<1000x128xf32> -> vector<1000x128xf32>
    %add3A_25 = arith.addf %add3A_13, %dot_general3A_24 : vector<1000x128xf32>
    %get3A_26 = arith.constant 0 : index
    %get3A_27 = arith.constant 0 : index
    %get3A_28 = vector.load %arg8[%get3A_26, %get3A_27] : memref<256x128xf32, #tpu.memory_space<vmem>>, vector<256x128xf32>
    %dot_general3A_29 = arith.constant dense<0.000000e+00> : vector<1000x256xf32>
    %dot_general3A_30 = tpu.matmul %add3A_25, %get3A_28, %dot_general3A_29 {dimension_numbers = #tpu.dot_dimension_numbers<[1], [1], [0], [0], [0, 0, 1, 0], [], []>, transpose_lhs_hint = false} : vector<1000x128xf32>, vector<256x128xf32>, vector<1000x256xf32> -> vector<1000x256xf32>
    %get3A_31 = arith.constant 0 : index
    %get3A_32 = arith.constant 0 : index
    %get3A_33 = vector.load %arg9[%get3A_31, %get3A_32] : memref<1x256xf32, #tpu.memory_space<vmem>>, vector<1x256xf32>
    %add3A_34 = vector.broadcast %get3A_33 : vector<1x256xf32> to vector<1000x256xf32>
    %add3A_35 = arith.addf %dot_general3A_30, %add3A_34 : vector<1000x256xf32>
    %logistic3A = arith.negf %add3A_35 : vector<1000x256xf32>
    %logistic3A_36 = math.exp %logistic3A : vector<1000x256xf32>
    %logistic3A_37 = arith.constant 1.000000e+00 : f32
    %logistic3A_38 = vector.broadcast %logistic3A_37 : f32 to vector<1000x256xf32>
    %logistic3A_39 = arith.addf %logistic3A_38, %logistic3A_36 : vector<1000x256xf32>
    %logistic3A_40 = arith.divf %logistic3A_38, %logistic3A_39 : vector<1000x256xf32>
    %mul3A = arith.mulf %add3A_35, %logistic3A_40 : vector<1000x256xf32>
    %get3A_41 = arith.constant 0 : index
    %get3A_42 = arith.constant 0 : index
    %get3A_43 = vector.load %arg10[%get3A_41, %get3A_42] : memref<128x256xf32, #tpu.memory_space<vmem>>, vector<128x256xf32>
    %dot_general3A_44 = arith.constant dense<0.000000e+00> : vector<1000x128xf32>
    %dot_general3A_45 = tpu.matmul %mul3A, %get3A_43, %dot_general3A_44 {dimension_numbers = #tpu.dot_dimension_numbers<[1], [1], [0], [0], [0, 0, 1, 0], [], []>, transpose_lhs_hint = false} : vector<1000x256xf32>, vector<128x256xf32>, vector<1000x128xf32> -> vector<1000x128xf32>
    %get3A_46 = arith.constant 0 : index
    %get3A_47 = arith.constant 0 : index
    %get3A_48 = vector.load %arg11[%get3A_46, %get3A_47] : memref<1x128xf32, #tpu.memory_space<vmem>>, vector<1x128xf32>
    %add3A_49 = vector.broadcast %get3A_48 : vector<1x128xf32> to vector<1000x128xf32>
    %add3A_50 = arith.addf %dot_general3A_45, %add3A_49 : vector<1000x128xf32>
    %swap3A = arith.constant 0 : index
    %swap3A_51 = arith.constant 0 : index
    %swap3A_52 = vector.load %arg12[%swap3A, %swap3A_51] : memref<1000x128xf32, #tpu.memory_space<vmem>>, vector<1000x128xf32>
    tpu.vector_store %arg12[%swap3A, %swap3A_51], %add3A_50 {strides = array<i32>} : memref<1000x128xf32, #tpu.memory_space<vmem>>, vector<1000x128xf32>,
    return
  }
  func.func @transform_0(%arg0: i32) -> (i32, i32) {
    %c0_i32 = arith.constant 0 : i32
    %c0_i32_0 = arith.constant 0 : i32
    return %arg0, %c0_i32 : i32, i32
  }
  func.func @transform_1(%arg0: i32) -> (i32, i32) {
    %c0_i32 = arith.constant 0 : i32
    %c0_i32_0 = arith.constant 0 : i32
    return %arg0, %c0_i32 : i32, i32
  }
  func.func @transform_2(%arg0: i32) -> (i32, i32) {
    %c0_i32 = arith.constant 0 : i32
    %c0_i32_0 = arith.constant 0 : i32
    return %arg0, %c0_i32 : i32, i32
  }
  func.func @transform_3(%arg0: i32) -> (i32, i32) {
    %c0_i32 = arith.constant 0 : i32
    %c0_i32_0 = arith.constant 0 : i32
    return %arg0, %c0_i32 : i32, i32
  }
  func.func @transform_4(%arg0: i32) -> (i32, i32) {
    %c0_i32 = arith.constant 0 : i32
    %c0_i32_0 = arith.constant 0 : i32
    return %arg0, %c0_i32 : i32, i32
  }
  func.func @transform_5(%arg0: i32) -> (i32, i32) {
    %c0_i32 = arith.constant 0 : i32
    %c0_i32_0 = arith.constant 0 : i32
    %c0_i32_1 = arith.constant 0 : i32
    return %c0_i32, %c0_i32_0 : i32, i32
  }
  func.func @transform_6(%arg0: i32) -> (i32, i32) {
    %c0_i32 = arith.constant 0 : i32
    %c0_i32_0 = arith.constant 0 : i32
    %c0_i32_1 = arith.constant 0 : i32
    return %c0_i32, %c0_i32_0 : i32, i32
  }
  func.func @transform_7(%arg0: i32) -> (i32, i32) {
    %c0_i32 = arith.constant 0 : i32
    %c0_i32_0 = arith.constant 0 : i32
    %c0_i32_1 = arith.constant 0 : i32
    return %c0_i32, %c0_i32_0 : i32, i32
  }
  func.func @transform_8(%arg0: i32) -> (i32, i32) {
    %c0_i32 = arith.constant 0 : i32
    %c0_i32_0 = arith.constant 0 : i32
    %c0_i32_1 = arith.constant 0 : i32
    return %c0_i32, %c0_i32_0 : i32, i32
  }
  func.func @transform_9(%arg0: i32) -> (i32, i32) {
    %c0_i32 = arith.constant 0 : i32
    %c0_i32_0 = arith.constant 0 : i32
    %c0_i32_1 = arith.constant 0 : i32
    return %c0_i32, %c0_i32_0 : i32, i32
  }
  func.func @transform_10(%arg0: i32) -> (i32, i32) {
    %c0_i32 = arith.constant 0 : i32
    %c0_i32_0 = arith.constant 0 : i32
    %c0_i32_1 = arith.constant 0 : i32
    return %c0_i32, %c0_i32_0 : i32, i32
  }
  func.func @transform_11(%arg0: i32) -> (i32, i32) {
    %c0_i32 = arith.constant 0 : i32
    %c0_i32_0 = arith.constant 0 : i32
    return %arg0, %c0_i32 : i32, i32
  }
}

</mosaic_0001>

<sc_bundles>
// kernel: kernel.5.cloned.1.call-start
scs
__scs_entry_jumppad:
0x0: {  	(pc) =	sbr.rel $0x88, $3  }
0x1: {  	(tag) =	ssettag $0x0;
	lr =	simm.s32 $0x1  }
0x2: {  	[smem:$0x3F96] =	sst lr;
	_ =	strace $0xD0000000  }
0x3: {  	_ = 	snop  }
0x4: {  	_ = 	snop  }
0x5: {  	_ = 	snop  }
0x6: {  	_ = 	snop  }
0x7: {  	_ = 	snop  }
__scs_overlays_trampoline_lowered:
0x8: {  	[smem:$0x3FA5] =	sst s0  }
0x9: {  	[smem:$0x3FA6] =	sst s1  }
0xa: {  	[smem:$0x3FA7] =	sst s2  }
0xb: {  	[smem:$0x3FA8] =	sst s3  }
0xc: {  	[smem:$0x3FA9] =	sst s4  }
0xd: {  	[smem:$0x3FAA] =	sst s5  }
0xe: {  	[smem:$0x3FAB] =	sst s6  }
0xf: {  	[smem:$0x3FAC] =	sst s7  }
0x10: {  	[smem:$0x3FAD] =	sst s8  }
0x11: {  	[smem:$0x3FAE] =	sst s9;
	s0 =	simm.s32 @!p0 $0x0  }
0x12: {  	s1 =	sld [smem:$0x3F94];
	s0 =	simm.s32 @p0 $0x1  }
0x13: {  	[smem:$0x3FAF] =	sst s0;
	s0 =	simm.s32 @!p1 $0x0  }
0x14: {  	s2 =	sld [smem:$0x3F93];
	s0 =	simm.s32 @p1 $0x1  }
0x15: {  	[smem:$0x3FB0] =	sst s0;
	s0 =	simm.s32 @!p2 $0x0  }
0x16: {  	s3 =	sld [smem:$0x3FDB];
	s0 =	simm.s32 @p2 $0x1  }
0x17: {  	s4 =	simm.s32 $0x1BF5;
	[smem:$0x3FB2] =	sst s0  }
0x18: {  	s0 =	sld [smem:$0x3F95];
	_ =	swait.ge [sflag:s4], $0x0  }
0x19: {  	s7 =	sld [smem:$0x3F96]  }
0x1a: {  	s8 =	sadd.s32 $0xFFFFE003, lr  }
0x1b: {  	s9 =	sadd.s32 $0xFFFFFEF7, lr;
	s5 =	simm.s32 $0xFFFFFFFF;
	p2 =	slt.u32 s8, $0xFFFFF086  }
0x1c: {  	p1 =	slt.u32 s9, $0xF7A;
	s5 =	simm.s32 @!p2 $0x0  }
0x1d: {  	s5 =	simm.s32 @p1 $0x1;
	p0 =	seq.s32 s7, s2  }
0x1e: {  	s7 =	smul.u32 @!p0 $0xF7A, s2;
	p2 =	seq.s32 @!p0 s5, $0x0  }
0x1f: {  	s9 =	smul.u32 $0xF7A, s1;
	s8 =	simm.s32 @!p0 $0x1BF5;
	p2 =	por !p2, p0  }
0x20: {  	[sflag:s8] =	ssyncset.s32 @!p0 $0xFFFFF086;
	s6 =	sadd.s32 @!p0 s3, s7;
	s7 =	simm.s32 @!p0 $0x108  }
0x21: {  	s3 =	sadd.s32 s3, s9;
	s6 =	sadd.s32 @!p0 $0x88, s6;
	s7 =	simm.s32 @p2 $0x1082  }
0x22: {  	[simem:s7], [sflag:s8] =	dma.local @!p0 [hbm:s6], $0xF7A  }
0x23: {  	s9 =	sor.u32 $0xD0000000, s2;
	s6 =	simm.s32 $0x108;
	_ =	swait.ge @!p0 [sflag:s8], $0x0  }
0x24: {  	s3 =	sadd.s32 $0x88, s3;
	s6 =	simm.s32 @!p1 $0x1082;
	[sflag:s4] =	ssyncset.s32 $0xFFFFF086  }
0x25: {  	[simem:s6], [sflag:s4] =	dma.local [hbm:s3], $0xF7A  }
0x26: {  	[smem:$0x3F96] =	sst s1;
	(tag) =	ssettag s2;
	_ =	strace s9  }
0x27: {  	s1 =	sld [smem:$0x3FA6]  }
0x28: {  	s2 =	sld [smem:$0x3FA7]  }
0x29: {  	s4 =	sld [smem:$0x3FA9]  }
0x2a: {  	p0 =	seq.s32 s5, $0x0;
	s5 =	sld [smem:$0x3FAA]  }
0x2b: {  	s6 =	sld [smem:$0x3FAB]  }
0x2c: {  	s7 =	sld [smem:$0x3FAC]  }
0x2d: {  	s3 =	simm.s32 $0x108;
	s8 =	sld [smem:$0x3FAD]  }
0x2e: {  	s3 =	simm.s32 @!p0 $0x1082;
	s9 =	sld [smem:$0x3FAE]  }
0x2f: {  	lr =	sadd.s32 s0, s3;
	s0 =	sld [smem:$0x3FA5]  }
0x30: {  	s3 =	sld [smem:$0x3FA8]  }
0x31: {  	[smem:$0x3FB1] =	sst s10  }
0x32: {  	s10 =	sld [smem:$0x3FAF];
	_ =	sdelay $0x3  }
0x33: {  	p0 =	seq.s32 s10, $0x1;
	s10 =	sld [smem:$0x3FB1];
	_ =	sdelay $0x3  }
0x34: {  	[smem:$0x3FB1] =	sst s10  }
0x35: {  	s10 =	sld [smem:$0x3FB0];
	_ =	sdelay $0x3  }
0x36: {  	p1 =	seq.s32 s10, $0x1;
	s10 =	sld [smem:$0x3FB1];
	_ =	sdelay $0x3  }
0x37: {  	[smem:$0x3FB1] =	sst s10  }
0x38: {  	s10 =	sld [smem:$0x3FB2]  }
0x39: {  	_ = 	snop;
	(pc) =	sbr.ind lr, $3  }
0x3a: {  	_ = 	snop  }
0x3b: {  	_ = 	snop  }
0x3c: {  	p2 =	seq.s32 s10, $0x1;
	s10 =	sld [smem:$0x3FB1]  }
0x3d: {  	_ =	shalt  }
0x3e: {  	_ =	shalt  }
0x3f: {  	_ =	shalt  }
0x40: {  	_ =	shalt  }
0x41: {  	_ =	shalt  }
0x42: {  	_ =	shalt  }
0x43: {  	_ =	shalt  }
0x44: {  	_ =	shalt  }
0x45: {  	_ =	shalt  }
0x46: {  	_ =	shalt  }
0x47: {  	_ =	shalt  }
0x48: {  	_ =	shalt  }
0x49: {  	_ =	shalt  }
0x4a: {  	_ =	shalt  }
0x4b: {  	_ =	shalt  }
0x4c: {  	_ =	shalt  }
0x4d: {  	_ =	shalt  }
0x4e: {  	_ =	shalt  }
0x4f: {  	_ =	shalt  }
0x50: {  	_ =	shalt  }
0x51: {  	_ =	shalt  }
0x52: {  	_ =	shalt  }
0x53: {  	_ =	shalt  }
0x54: {  	_ =	shalt  }
0x55: {  	_ =	shalt  }
0x56: {  	_ =	shalt  }
0x57: {  	_ =	shalt  }
0x58: {  	_ =	shalt  }
0x59: {  	_ =	shalt  }
0x5a: {  	_ =	shalt  }
0x5b: {  	_ =	shalt  }
0x5c: {  	_ =	shalt  }
0x5d: {  	_ =	shalt  }
0x5e: {  	_ =	shalt  }
0x5f: {  	_ =	shalt  }
0x60: {  	_ =	shalt  }
0x61: {  	_ =	shalt  }
0x62: {  	_ =	shalt  }
0x63: {  	_ =	shalt  }
0x64: {  	_ =	shalt  }
0x65: {  	_ =	shalt  }
0x66: {  	_ =	shalt  }
0x67: {  	_ =	shalt  }
0x68: {  	_ =	shalt  }
0x69: {  	_ =	shalt  }
0x6a: {  	_ =	shalt  }
0x6b: {  	_ =	shalt  }
0x6c: {  	_ =	shalt  }
0x6d: {  	_ =	shalt  }
0x6e: {  	_ =	shalt  }
0x6f: {  	_ =	shalt  }
0x70: {  	_ =	shalt  }
0x71: {  	_ =	shalt  }
0x72: {  	_ =	shalt  }
0x73: {  	_ =	shalt  }
0x74: {  	_ =	shalt  }
0x75: {  	_ =	shalt  }
0x76: {  	_ =	shalt  }
0x77: {  	_ =	shalt  }
0x78: {  	_ =	shalt  }
0x79: {  	_ =	shalt  }
0x7a: {  	_ =	shalt  }
0x7b: {  	_ =	shalt  }
0x7c: {  	_ =	shalt  }
0x7d: {  	_ =	shalt  }
0x7e: {  	_ =	shalt  }
0x7f: {  	_ =	shalt  }
0x80: {  	_ =	shalt  }
0x81: {  	_ =	shalt  }
0x82: {  	_ =	shalt  }
0x83: {  	_ =	shalt  }
0x84: {  	_ =	shalt  }
0x85: {  	_ =	shalt  }
0x86: {  	_ =	shalt  }
0x87: {  	_ =	shalt  }
.Lfunc_end0:
.L_simem_size_0:
called_computation_lowered:
.L_overlay_start_0:
0x88: {  	s2 =	sld [smem:$0x3FD9]  }
0x89: {  	s3 =	sld [smem:$0x3FFE];
	_ =	sdelay $0x1  }
0x8a: {  	s1 =	srdreg.scid  }
0x8b: {  	s0 =	sand.u32 $0x1, s1  }
0x8c: {  	s17 =	sshll.u32 s0, $0xA;
	s2 =	sadd.s32 s3, s2  }
0x8d: {  	s2 =	sadd.s32 s2, s17  }
0x8e: {  	[smem:$0x3FBD] =	sst s2  }
0x8f: {  	_ = 	snop  }
0x90: {  	s2 =	sld [smem:$0x3FD0];
	(tm) =	ssettm $0x1  }
0x91: {  	s18 =	sld [smem:$0x3FFB];
	_ =	sdelay $0x3  }
0x92: {  	_ =	strace s18  }
0x93: {  	s3 =	sld [smem:$0x3FFC];
	_ =	sdelay $0x3  }
0x94: {  	_ =	strace s3  }
0x95: {  	s3 =	sld [smem:$0x3FFD];
	_ =	sdelay $0x3  }
0x96: {  	_ =	strace s3  }
0x97: {  	_ =	strace $0x8FFFFFFF  }
0x98: {  	s19 =	sld [smem:$0x3FDB];
	_ =	sdelay $0x1  }
0x99: {  	s4 =	simm.s32 $_scs_section_size  }
0x9a: {  	s5 =	simm.s32 $_size__tile_overlayer_lowered;
	s6 =	simm.s32 $_tile_overlayer_lowered  }
0x9b: {  	s22 =	simm.s32 $0x1BFF;
	s21 =	sshll.u32 s6, $0x1;
	s3 =	sadd.s32 s4, s19  }
0x9c: {  	s7 =	simm.s32 $0x0;
	s20 =	sshll.u32 s5, $0x1;
	s5 =	sadd.s32 s21, s3  }
0x9d: {  	[timem:s7], [sflag:s22] =	dma.local [hbm:s5], s20  }
0x9e: {  	_ =	swait.ge [sflag:s22], s20  }
0x9f: {  	s4 =	ssub.s32 $0x0, s20;
	[sflag:s22] =	ssyncset.done $0x0  }
0xa0: {  	[sflag:s22] =	ssyncadd.s32 s4;
	_ =	sdelay $0x1  }
0xa1: {  	s23 =	simm.s32 $0x1B8B  }
0xa2: {  	_ =	swait.ge [sflag:s23], $0x1  }
0xa3: {  	[sflag:s23] =	ssyncset.done $0x0  }
0xa4: {  	s25 =	simm.s32 $0x1B8E;
	s24 =	sld [smem:$0x3FFE];
	[sflag:s23] =	ssyncadd.s32 $0xFFFFFFFF  }
0xa5: {  	s26 =	simm.s32 $execute0_lowered;
	[smem:$0x3FD2] =	sst s25  }
0xa6: {  	s5 =	sshll.u32 s26, $0x1;
	_ =	strace $0x80000046;
	[dreg:$0x1] =	wrdreg $0xFFFFFFFF  }
0xa7: {  	s28 =	simm.s32 $_size_execute0_lowered;
	s3 =	sadd.s32 s3, s5;
	[dreg:$0x0] =	wrdreg $0x0  }
0xa8: {  	s5 =	sshll.u32 s28, $0x1;
	[dreg:$0x2] =	wrdreg s3  }
0xa9: {  	[dreg:$0x3] =	wrdreg s5  }
0xaa: {  	[dreg:$0x4] =	wrdreg $0xC0  }
0xab: {  	_ =	task [dreg:s7], $0x5FFFF  }
0xac: {  	[dreg:$0x1] =	wrdreg $0xFFFFFFFF  }
0xad: {  	[dreg:$0x0] =	wrdreg $0x60  }
0xae: {  	[dreg:$0x2] =	wrdreg s2  }
0xaf: {  	[dreg:$0x3] =	wrdreg s24  }
0xb0: {  	[dreg:$0x4] =	wrdreg $0x68800  }
0xb1: {  	[dreg:$0x5] =	wrdreg $0x1A4800  }
0xb2: {  	[dreg:$0x6] =	wrdreg $0x9  }
0xb3: {  	_ =	task.clear_ibuf [dreg:s7], $0x7FFFF;
	_ =	strace $0x90000046  }
0xb4: {  	s29 =	simm.s32 $0x9;
	_ =	strace $0x80000048  }
0xb5: {  	_ =	swait.ge [sflag:s29], $0x1  }
0xb6: {  	[sflag:s29] =	ssyncadd.s32 $0xFFFFFFFF  }
0xb7: {  	_ =	strace $0x90000048  }
0xb8: {  	_ =	sfence  }
0xb9: {  	s30 =	sld [smem:$0x0];
	_ =	sdelay $0x2  }
0xba: {  	s31 =	sshll.u32 s1, $0xD;
	s1 =	sshrl.u32 s1, $0x2  }
0xbb: {  	s3 =	sand.u32 $0x4000, s31;
	s1 =	sadd.s32 s1, s30  }
0xbc: {  	s0 =	sor.u32 s3, s0;
	s1 =	sshll.u32 s1, $0x11  }
0xbd: {  	s0 =	sor.u32 s1, s0  }
0xbe: {  	s0 =	sadd.s32 $0x8F2B, s0  }
0xbf: {  	[sflag:s0] =	ssyncadd.remote.s32 $0x1  }
0xc0: {  	_ =	sfence.sel $0xFFFF  }
0xc1: {  	[dreg:$0x0] =	wrdreg $0xFFFFFFFF;
	(pc) =	sbr.abs _section_cstart, $3  }
0xc2: {  	[dreg:$0x1] =	wrdreg $0xFFFFFFFF  }
0xc3: {  	_ =	task.clear_ibuf [dreg:s7], $0x2FFFF;
	_ =	strace $0x9FFFFFFF  }
0xc4: {  	(tm) =	ssettm $0x7FFFFFFF  }
0xc5: {  	_ =	shalt  }
tec
execute0_lowered:
.L_overlay_start_1:
0x0: {  	(tag) =	ssettag $0x1  }
0x1: {  	s14 =	stileid.u32  }
0x2: {  	s7 =	smul.u32 $0x13C00, s14  }
0x3: {  	s0 =	rddreg [dreg:$0x0];
	s9 =	smul.u32 $0x5800, s14  }
0x4: {  	s1 =	rddreg [dreg:$0x1];
	s24 =	smul.u32 $0x2B, s14  }
0x5: {  	s2 =	srdreg.scid;
	s12 =	smul.u32 $0x4F000, s14  }
0x6: {  	s3 =	rddreg [dreg:$0x2];
	s2 =	sand.u32 $0x1, s2;
	s14 =	smul.u32 $0xAB, s14  }
0x7: {  	s4 =	rddreg [dreg:$0x3];
	s5 =	simm.s32 $0x0;
	s8 =	smul.u32 $0x58000, s2  }
0x8: {  	[smem:$0x7FF] =	sst s5;
	s6 =	smul.u32 $0x13C000, s2;
	s25 =	sshrl.u32 s12, $0x2  }
0x9: {  	_ =	strace $0x80000047;
	s23 =	sadd.s32 s9, s8;
	s8 =	sadd.s32 s25, s3  }
0xa: {  	s11 =	ssub.s32 $0x2, s2;
	p0 =	seq.s32 s2, $0x0;
	s2 =	sadd.s32 $0x3000, s8  }
0xb: {  	s13 =	sshrl.u32 s11, $0x1;
	s26 =	sadd.s32 $0x6000, s8;
	[dreg:$0x5] =	wrdreg s2  }
0xc: {  	s7 =	sadd.s32 s7, s6;
	s12 =	sadd.s32 $0x9000, s8;
	[dreg:$0x6] =	wrdreg s26  }
0xd: {  	s11 =	ssub.s32 s11, s13;
	s13 =	sadd.s32 $0xC000, s8;
	[dreg:$0x7] =	wrdreg s12  }
0xe: {  	s6 =	sadd.s32 $0x2200, s1;
	s15 =	sadd.s32 $0x12000, s8;
	[dreg:$0x8] =	wrdreg s13  }
0xf: {  	s7 =	sshrl.u32 s7, $0x3;
	s22 =	smax.u32 s11, $0x1;
	[dreg:$0xa] =	wrdreg s15  }
0x10: {  	s10 =	sadd.s32 s7, s1;
	s7 =	sshrl.u32 s23, $0x3;
	[dreg:$0x11] =	wrdreg s22  }
0x11: {  	s1 =	sadd.s32 s7, s1;
	s7 =	sadd.s32 $0xAB0, s24;
	s10 =	sadd.s32 $0x37A00, s10  }
0x12: {  	s7 =	smov.u32 @p0 s14;
	s14 =	sadd.s32 $0xF000, s8;
	[dreg:$0xf] =	wrdreg s10  }
0x13: {  	s1 =	sadd.s32 $0x86A00, s1;
	[dreg:$0x9] =	wrdreg s14;
	s14 =	sadd.s32 s9, s4  }
0x14: {  	[dreg:$0x10] =	wrdreg s1;
	s16 =	sadd.s32 $0x400, s14  }
0x15: {  	s17 =	sadd.s32 $0x800, s14;
	[dreg:$0xb] =	wrdreg s16  }
0x16: {  	s18 =	sadd.s32 $0xC00, s14;
	[dreg:$0xc] =	wrdreg s17  }
0x17: {  	s9 =	sadd.s32 $0x1000, s14;
	[dreg:$0xd] =	wrdreg s18  }
0x18: {  	s20 =	simm.s32 $0xAA;
	s23 =	sadd.s32 $0x1400, s14;
	[dreg:$0xe] =	wrdreg s9  }
0x19: {  	s28 =	simm.s32 $0x60;
	s24 =	sadd.s32 $0x1800, s14;
	[dreg:$0x12] =	wrdreg s23  }
0x1a: {  	s29 =	simm.s32 $0x200;
	s26 =	sadd.s32 $0x1C00, s14;
	[dreg:$0x13] =	wrdreg s24  }
0x1b: {  	s30 =	simm.s32 $0x4;
	s2 =	sadd.s32 $0x2000, s14;
	[dreg:$0x14] =	wrdreg s26  }
0x1c: {  	s31 =	simm.s32 $0x3400;
	s10 =	sadd.s32 $0x2400, s14;
	[dreg:$0x15] =	wrdreg s2  }
0x1d: {  	s20 =	simm.s32 @!p0 $0x2A;
	s11 =	sadd.s32 $0x2800, s14;
	[dreg:$0x16] =	wrdreg s10  }
0x1e: {  	s21 =	sshrl.u32 s20, $0x1;
	s12 =	sadd.s32 $0x2C00, s14;
	[dreg:$0x17] =	wrdreg s11  }
0x1f: {  	s25 =	sadd.s32 $0xFFFFFFFF, s21;
	s13 =	sadd.s32 $0x3000, s14;
	[dreg:$0x18] =	wrdreg s12  }
0x20: {  	s19 =	sshll.u32 s7, $0x6;
	s15 =	sadd.s32 $0x3400, s14;
	[dreg:$0x19] =	wrdreg s13  }
0x21: {  	s1 =	simm.s32 $0x80;
	s21 =	sadd.s32 $0x4800, s14;
	[dreg:$0x1a] =	wrdreg s15  }
0x22: {  	s22 =	sadd.s32 $0x4C00, s14;
	s9 =	sadd.s32 s6, s19;
	[dreg:$0x1f] =	wrdreg s21  }
0x23: {  	s16 =	sadd.s32 $0x3800, s14;
	s17 =	sadd.s32 $0x3C00, s14;
	[smem:$0x7FA] =	sst s22  }
0x24: {  	s18 =	sadd.s32 $0x4000, s14;
	s19 =	sadd.s32 $0x4400, s14;
	[dreg:$0x1b] =	wrdreg s16  }
0x25: {  	s23 =	sadd.s32 $0x5000, s14;
	s24 =	sadd.s32 $0x5400, s14;
	[dreg:$0x1c] =	wrdreg s17  }
0x26: {  	s2 =	simm.s32 $0x1;
	s21 =	simm.s32 $0x100;
	[dreg:$0x1d] =	wrdreg s18  }
0x27: {  	s10 =	simm.s32 $0x3;
	s11 =	simm.s32 $0x2;
	[dreg:$0x1e] =	wrdreg s19  }
0x28: {  	s12 =	simm.s32 $0x280;
	s13 =	simm.s32 $0x300;
	[smem:$0x7FB] =	sst s23  }
0x29: {  	s15 =	simm.s32 $0x0;
	[smem:$0x7FC] =	sst s24;
	s22 =	smov.u32 s9  }
0x2a: {  	s26 =	sadd.s32 $0x40, s9;
	s23 =	simm.s32 $0x400;
	s24 =	simm.s32 $0x5  }
0x2b: {  	v0 =	vimm.f32 $0.0e+00;
	v1 =	vimm.f32 $1.000000000e+00;
	s9 =	simm.s32 $0x6400;
	[smem:$0x7FD] =	sst s26;
	s26 =	simm.s32 $0x6480  }
.LBB2_1:
0x2c: {  	s16 =	simm.s32 $0x0;
	s17 =	simm.s32 $0x200  }
.LBB2_2:
0x2d: {  	p0 =	sne.s32 s17, $0xBE00;
	[tilespmem:s16+$0x470] =	vst v0  }
0x2e: {  	[tilespmem:s16+$0x400] =	vst v0  }
0x2f: {  	[tilespmem:s16+$0x410] =	vst v0  }
.Ltmp0:
0x30: {  	[tilespmem:s16+$0x420] =	vst v0;
	(pc) =	sbr.rel @p0 .LBB2_2-.Ltmp0, $4  }
0x31: {  	[tilespmem:s16+$0x430] =	vst v0  }
0x32: {  	[tilespmem:s16+$0x440] =	vst v0  }
0x33: {  	[tilespmem:s16+$0x450] =	vst v0  }
0x34: {  	[tilespmem:s16+$0x460] =	vst v0;
	s16 =	sshra.s32 s17, $0x2;
	s17 =	sadd.s32 $0x200, s17  }
0x35: {  	[tilespmem:s16+$0x470] =	vst v0  }
0x36: {  	[tilespmem:s16+$0x400] =	vst v0  }
0x37: {  	[tilespmem:s16+$0x410] =	vst v0  }
0x38: {  	[tilespmem:s16+$0x420] =	vst v0  }
0x39: {  	[tilespmem:s16+$0x430] =	vst v0  }
0x3a: {  	[tilespmem:s16+$0x440] =	vst v0  }
0x3b: {  	[tilespmem:s16+$0x450] =	vst v0  }
0x3c: {  	[tilespmem:s16+$0x460] =	vst v0;
	s16 =	simm.s32 $0x40;
	s17 =	simm.s32 $0x0  }
.LBB2_4:
0x3d: {  	p0 =	sne.s32 s16, $0xFC0;
	[tilespmem:s17+$0x6480] =	vst v0;
	s17 =	smov.u32 s16;
	s16 =	sadd.s32 $0x40, s16  }
.Ltmp1:
0x3e: {  	(pc) =	sbr.rel @p0 .LBB2_4-.Ltmp1, $2  }
0x3f: {  	_ =	sdelay $0x2  }
0x40: {  	s17 =	sshra.s32 s17, $0x2  }
0x41: {  	[tilespmem:s17+$0x6480] =	vst v0  }
0x42: {  	[spmem:s8] =	stream.linear.scatter [tilespmem:s23], [sflag:$0x5], $0x3000, $0x38;
	[tilespmem:$0x1FC80] =	vst v63  }
0x43: {  	_ =	swait.ge [sflag:s24], $0x3000  }
0x44: {  	[sflag:s24] =	ssyncset.done $0x0  }
0x45: {  	s16 =	rddreg [dreg:$0x5];
	[sflag:s24] =	ssyncadd.s32 $0xFFFFD000  }
0x46: {  	[spmem:s16] =	stream.linear.scatter [tilespmem:s23], [sflag:$0x5], $0x3000, $0x38;
	[tilespmem:$0x1FC80] =	vst v63  }
0x47: {  	_ =	swait.ge [sflag:s24], $0x3000  }
0x48: {  	[sflag:s24] =	ssyncset.done $0x0  }
0x49: {  	s17 =	rddreg [dreg:$0x6];
	[sflag:s24] =	ssyncadd.s32 $0xFFFFD000  }
0x4a: {  	[spmem:s17] =	stream.linear.scatter [tilespmem:s23], [sflag:$0x5], $0x3000, $0x38;
	[tilespmem:$0x1FC80] =	vst v63  }
0x4b: {  	_ =	swait.ge [sflag:s24], $0x3000  }
0x4c: {  	[sflag:s24] =	ssyncset.done $0x0  }
0x4d: {  	s18 =	rddreg [dreg:$0x7];
	[sflag:s24] =	ssyncadd.s32 $0xFFFFD000  }
0x4e: {  	[spmem:s18] =	stream.linear.scatter [tilespmem:s23], [sflag:$0x5], $0x3000, $0x38;
	[tilespmem:$0x1FC80] =	vst v63  }
0x4f: {  	_ =	swait.ge [sflag:s24], $0x3000  }
0x50: {  	[sflag:s24] =	ssyncset.done $0x0  }
0x51: {  	s19 =	rddreg [dreg:$0x8];
	[sflag:s24] =	ssyncadd.s32 $0xFFFFD000  }
0x52: {  	[spmem:s19] =	stream.linear.scatter [tilespmem:s23], [sflag:$0x5], $0x3000, $0x38;
	[tilespmem:$0x1FC80] =	vst v63  }
0x53: {  	_ =	swait.ge [sflag:s24], $0x3000  }
0x54: {  	[sflag:s24] =	ssyncset.done $0x0  }
0x55: {  	s17 =	rddreg [dreg:$0x9];
	[sflag:s24] =	ssyncadd.s32 $0xFFFFD000  }
0x56: {  	[spmem:s17] =	stream.linear.scatter [tilespmem:s23], [sflag:$0x5], $0x3000, $0x38;
	[tilespmem:$0x1FC80] =	vst v63  }
0x57: {  	_ =	swait.ge [sflag:s24], $0x3000  }
0x58: {  	[sflag:s24] =	ssyncset.done $0x0  }
0x59: {  	s18 =	rddreg [dreg:$0xa];
	[sflag:s24] =	ssyncadd.s32 $0xFFFFD000  }
0x5a: {  	[spmem:s18] =	stream.linear.scatter [tilespmem:s23], [sflag:$0x5], $0x1C00, $0x38;
	[tilespmem:$0x1FC80] =	vst v63  }
0x5b: {  	_ =	swait.ge [sflag:s24], $0x1C00  }
0x5c: {  	[sflag:s24] =	ssyncset.done $0x0  }
0x5d: {  	[sflag:s24] =	ssyncadd.s32 $0xFFFFE400  }
0x5e: {  	[spmem:s14] =	stream.linear.scatter [tilespmem:s26], [sflag:$0x5], $0x400, $0x38;
	[tilespmem:$0x1FC80] =	vst v63  }
0x5f: {  	_ =	swait.ge [sflag:s24], $0x400  }
0x60: {  	[sflag:s24] =	ssyncset.done $0x0  }
0x61: {  	s19 =	rddreg [dreg:$0xb];
	[sflag:s24] =	ssyncadd.s32 $0xFFFFFC00  }
0x62: {  	[spmem:s19] =	stream.linear.scatter [tilespmem:s26], [sflag:$0x5], $0x400, $0x38;
	[tilespmem:$0x1FC80] =	vst v63  }
0x63: {  	_ =	swait.ge [sflag:s24], $0x400  }
0x64: {  	[sflag:s24] =	ssyncset.done $0x0  }
0x65: {  	s17 =	rddreg [dreg:$0xc];
	[sflag:s24] =	ssyncadd.s32 $0xFFFFFC00  }
0x66: {  	[spmem:s17] =	stream.linear.scatter [tilespmem:s26], [sflag:$0x5], $0x400, $0x38;
	[tilespmem:$0x1FC80] =	vst v63  }
0x67: {  	_ =	swait.ge [sflag:s24], $0x400  }
0x68: {  	[sflag:s24] =	ssyncset.done $0x0  }
0x69: {  	s18 =	rddreg [dreg:$0xd];
	[sflag:s24] =	ssyncadd.s32 $0xFFFFFC00  }
0x6a: {  	[spmem:s18] =	stream.linear.scatter [tilespmem:s26], [sflag:$0x5], $0x400, $0x38;
	[tilespmem:$0x1FC80] =	vst v63  }
0x6b: {  	_ =	swait.ge [sflag:s24], $0x400  }
0x6c: {  	[sflag:s24] =	ssyncset.done $0x0  }
0x6d: {  	s19 =	rddreg [dreg:$0xe];
	[sflag:s24] =	ssyncadd.s32 $0xFFFFFC00  }
0x6e: {  	[spmem:s19] =	stream.linear.scatter [tilespmem:s26], [sflag:$0x5], $0x400, $0x38;
	[tilespmem:$0x1FC80] =	vst v63  }
0x6f: {  	_ =	swait.ge [sflag:s24], $0x400  }
0x70: {  	[sflag:s24] =	ssyncset.done $0x0  }
0x71: {  	s17 =	rddreg [dreg:$0x12];
	[sflag:s24] =	ssyncadd.s32 $0xFFFFFC00  }
0x72: {  	[spmem:s17] =	stream.linear.scatter [tilespmem:s26], [sflag:$0x5], $0x400, $0x38;
	[tilespmem:$0x1FC80] =	vst v63  }
0x73: {  	_ =	swait.ge [sflag:s24], $0x400  }
0x74: {  	[sflag:s24] =	ssyncset.done $0x0  }
0x75: {  	s18 =	rddreg [dreg:$0x13];
	[sflag:s24] =	ssyncadd.s32 $0xFFFFFC00  }
0x76: {  	[spmem:s18] =	stream.linear.scatter [tilespmem:s26], [sflag:$0x5], $0x400, $0x38;
	[tilespmem:$0x1FC80] =	vst v63  }
0x77: {  	_ =	swait.ge [sflag:s24], $0x400  }
0x78: {  	[sflag:s24] =	ssyncset.done $0x0  }
0x79: {  	s19 =	rddreg [dreg:$0x14];
	[sflag:s24] =	ssyncadd.s32 $0xFFFFFC00  }
0x7a: {  	[spmem:s19] =	stream.linear.scatter [tilespmem:s26], [sflag:$0x5], $0x400, $0x38;
	[tilespmem:$0x1FC80] =	vst v63  }
0x7b: {  	_ =	swait.ge [sflag:s24], $0x400  }
0x7c: {  	[sflag:s24] =	ssyncset.done $0x0  }
0x7d: {  	s17 =	rddreg [dreg:$0x15];
	[sflag:s24] =	ssyncadd.s32 $0xFFFFFC00  }
0x7e: {  	[spmem:s17] =	stream.linear.scatter [tilespmem:s26], [sflag:$0x5], $0x400, $0x38;
	[tilespmem:$0x1FC80] =	vst v63  }
0x7f: {  	_ =	swait.ge [sflag:s24], $0x400  }
0x80: {  	[sflag:s24] =	ssyncset.done $0x0  }
0x81: {  	s18 =	rddreg [dreg:$0x16];
	[sflag:s24] =	ssyncadd.s32 $0xFFFFFC00  }
0x82: {  	[spmem:s18] =	stream.linear.scatter [tilespmem:s26], [sflag:$0x5], $0x400, $0x38;
	[tilespmem:$0x1FC80] =	vst v63  }
0x83: {  	_ =	swait.ge [sflag:s24], $0x400  }
0x84: {  	[sflag:s24] =	ssyncset.done $0x0  }
0x85: {  	s19 =	rddreg [dreg:$0x17];
	[sflag:s24] =	ssyncadd.s32 $0xFFFFFC00  }
0x86: {  	[spmem:s19] =	stream.linear.scatter [tilespmem:s26], [sflag:$0x5], $0x400, $0x38;
	[tilespmem:$0x1FC80] =	vst v63  }
0x87: {  	_ =	swait.ge [sflag:s24], $0x400  }
0x88: {  	[sflag:s24] =	ssyncset.done $0x0  }
0x89: {  	s17 =	rddreg [dreg:$0x18];
	[sflag:s24] =	ssyncadd.s32 $0xFFFFFC00  }
0x8a: {  	[spmem:s17] =	stream.linear.scatter [tilespmem:s26], [sflag:$0x5], $0x400, $0x38;
	[tilespmem:$0x1FC80] =	vst v63  }
0x8b: {  	_ =	swait.ge [sflag:s24], $0x400  }
0x8c: {  	[sflag:s24] =	ssyncset.done $0x0  }
0x8d: {  	s18 =	rddreg [dreg:$0x19];
	[sflag:s24] =	ssyncadd.s32 $0xFFFFFC00  }
0x8e: {  	[spmem:s18] =	stream.linear.scatter [tilespmem:s26], [sflag:$0x5], $0x400, $0x38;
	[tilespmem:$0x1FC80] =	vst v63  }
0x8f: {  	_ =	swait.ge [sflag:s24], $0x400  }
0x90: {  	[sflag:s24] =	ssyncset.done $0x0  }
0x91: {  	s19 =	rddreg [dreg:$0x1a];
	[sflag:s24] =	ssyncadd.s32 $0xFFFFFC00  }
0x92: {  	[spmem:s19] =	stream.linear.scatter [tilespmem:s26], [sflag:$0x5], $0x400, $0x38;
	[tilespmem:$0x1FC80] =	vst v63  }
0x93: {  	_ =	swait.ge [sflag:s24], $0x400  }
0x94: {  	[sflag:s24] =	ssyncset.done $0x0  }
0x95: {  	s17 =	rddreg [dreg:$0x1b];
	[sflag:s24] =	ssyncadd.s32 $0xFFFFFC00  }
0x96: {  	[spmem:s17] =	stream.linear.scatter [tilespmem:s26], [sflag:$0x5], $0x400, $0x38;
	[tilespmem:$0x1FC80] =	vst v63  }
0x97: {  	_ =	swait.ge [sflag:s24], $0x400  }
0x98: {  	[sflag:s24] =	ssyncset.done $0x0  }
0x99: {  	s18 =	rddreg [dreg:$0x1c];
	[sflag:s24] =	ssyncadd.s32 $0xFFFFFC00  }
0x9a: {  	[spmem:s18] =	stream.linear.scatter [tilespmem:s26], [sflag:$0x5], $0x400, $0x38;
	[tilespmem:$0x1FC80] =	vst v63  }
0x9b: {  	_ =	swait.ge [sflag:s24], $0x400  }
0x9c: {  	[sflag:s24] =	ssyncset.done $0x0  }
0x9d: {  	s19 =	rddreg [dreg:$0x1d];
	[sflag:s24] =	ssyncadd.s32 $0xFFFFFC00  }
0x9e: {  	[spmem:s19] =	stream.linear.scatter [tilespmem:s26], [sflag:$0x5], $0x400, $0x38;
	[tilespmem:$0x1FC80] =	vst v63  }
0x9f: {  	_ =	swait.ge [sflag:s24], $0x400  }
0xa0: {  	[sflag:s24] =	ssyncset.done $0x0  }
0xa1: {  	s17 =	rddreg [dreg:$0x1e];
	[sflag:s24] =	ssyncadd.s32 $0xFFFFFC00  }
0xa2: {  	[spmem:s17] =	stream.linear.scatter [tilespmem:s26], [sflag:$0x5], $0x400, $0x38;
	[tilespmem:$0x1FC80] =	vst v63  }
0xa3: {  	_ =	swait.ge [sflag:s24], $0x400  }
0xa4: {  	[sflag:s24] =	ssyncset.done $0x0  }
0xa5: {  	s18 =	rddreg [dreg:$0x1f];
	[sflag:s24] =	ssyncadd.s32 $0xFFFFFC00  }
0xa6: {  	[spmem:s18] =	stream.linear.scatter [tilespmem:s26], [sflag:$0x5], $0x400, $0x38;
	[tilespmem:$0x1FC80] =	vst v63  }
0xa7: {  	_ =	swait.ge [sflag:s24], $0x400  }
0xa8: {  	s19 =	sld [smem:$0x7FA]  }
0xa9: {  	[sflag:s24] =	ssyncset.done $0x0  }
0xaa: {  	[sflag:s24] =	ssyncadd.s32 $0xFFFFFC00  }
0xab: {  	[spmem:s19] =	stream.linear.scatter [tilespmem:s26], [sflag:$0x5], $0x400, $0x38;
	[tilespmem:$0x1FC80] =	vst v63  }
0xac: {  	_ =	swait.ge [sflag:s24], $0x400  }
0xad: {  	s17 =	sld [smem:$0x7FB]  }
0xae: {  	[sflag:s24] =	ssyncset.done $0x0  }
0xaf: {  	[sflag:s24] =	ssyncadd.s32 $0xFFFFFC00  }
0xb0: {  	[spmem:s17] =	stream.linear.scatter [tilespmem:s26], [sflag:$0x5], $0x400, $0x38;
	[tilespmem:$0x1FC80] =	vst v63  }
0xb1: {  	_ =	swait.ge [sflag:s24], $0x400  }
0xb2: {  	s18 =	sld [smem:$0x7FC]  }
0xb3: {  	[sflag:s24] =	ssyncset.done $0x0  }
0xb4: {  	[sflag:s24] =	ssyncadd.s32 $0xFFFFFC00  }
0xb5: {  	[spmem:s18] =	stream.linear.scatter [tilespmem:s26], [sflag:$0x5], $0x400, $0x38;
	[tilespmem:$0x1FC80] =	vst v63  }
0xb6: {  	_ =	swait.ge [sflag:s24], $0x400  }
0xb7: {  	[sflag:s24] =	ssyncset.done $0x0  }
0xb8: {  	[sflag:s24] =	ssyncadd.s32 $0xFFFFFC00  }
0xb9: {  	[tilespmem:$0x6400] =	vst v1  }
0xba: {  	[tilespmem:$0x6410] =	vst v1  }
0xbb: {  	[tilespmem:$0x6420] =	vst v1  }
0xbc: {  	[tilespmem:$0x6430] =	vst v1  }
0xbd: {  	[tilespmem:$0x6440] =	vst v1  }
0xbe: {  	[tilespmem:$0x6450] =	vst v1  }
0xbf: {  	[bflag:$0x0] =	sbarrier.arrive $0xFFFF  }
0xc0: {  	[tilespmem:s5], [sflag:$0x5] =	stream.linear.gather [hbm4b:s22+s5], $0x180, $0x38;
	[tilespmem:$0x1FC80] =	vst v63  }
0xc1: {  	_ =	swait.ge [sflag:s24], $0x180  }
0xc2: {  	[sflag:s24] =	ssyncset.done $0x0  }
0xc3: {  	s19 =	sld [smem:$0x7FD];
	[sflag:s24] =	ssyncadd.s32 $0xFFFFFE80  }
0xc4: {  	[tilespmem:s23], [sflag:$0x1] =	stream.indirect.gather [hbm4b:s0+s28], $0x80, s5, s28, $0xb8;
	[tilespmem:$0x1FC80] =	vst v63  }
0xc5: {  	_ = 	snop  }
0xc6: {  	[tilespmem:s29], [sflag:$0x4] =	stream.linear.gather [hbm4b:s19+s5], $0x180, $0x38;
	[tilespmem:$0x1FC80] =	vst v63  }
0xc7: {  	_ =	swait.ge [sflag:s30], $0x180  }
0xc8: {  	[sflag:s30] =	ssyncset.done $0x0  }
0xc9: {  	[sflag:s30] =	ssyncadd.s32 $0xFFFFFE80  }
0xca: {  	[tilespmem:s31], [sflag:$0x2] =	stream.indirect.gather [hbm4b:s0+s28], $0x80, s29, s28, $0xb8;
	[tilespmem:$0x1FC80] =	vst v63  }
0xcb: {  	_ =	swait.ge [sflag:s2], $0x3000  }
0xcc: {  	[sflag:s2] =	ssyncset.done $0x0  }
0xcd: {  	p0 =	sgt.s32 s20, $0x2;
	[sflag:s2] =	ssyncadd.s32 $0xFFFFD000  }
0xce: {  	[spmem:s3] =	stream.indirect.scatter.add.f32 [tilespmem:s23], [sflag:$0x5], $0x80, s1, s28, $0xb8;
	[tilespmem:$0x1FC80] =	vst v63  }
0xcf: {  	s16 =	simm.s32 $0x2;
	s17 =	smov.u32 s20;
	_ =	swait.ge [sflag:s24], $0x3000  }
0xd0: {  	s17 =	smov.u32 @p0 s16;
	[sflag:s24] =	ssyncset.done $0x0  }
0xd1: {  	s16 =	sadd.s32 s7, s17;
	[sflag:s24] =	ssyncadd.s32 $0xFFFFD000  }
0xd2: {  	[spmem:s4] =	stream.indirect.scatter.add.f32 [tilespmem:s9], [sflag:$0x5], $0x1, s21, s28, $0xb8;
	[tilespmem:$0x1FC80] =	vst v63  }
0xd3: {  	s16 =	sshll.u32 s16, $0x6;
	_ =	swait.ge [sflag:s24], $0x60  }
0xd4: {  	s16 =	sand.u32 $0x1FFFFFC0, s16;
	[sflag:s24] =	ssyncset.done $0x0  }
0xd5: {  	s16 =	sadd.s32 s6, s16;
	[sflag:s24] =	ssyncadd.s32 $0xFFFFFFA0  }
0xd6: {  	[tilespmem:s5], [sflag:$0x3] =	stream.linear.gather [hbm4b:s16+s5], $0x180, $0x38;
	[tilespmem:$0x1FC80] =	vst v63  }
0xd7: {  	_ =	swait.ge [sflag:s10], $0x180  }
0xd8: {  	[sflag:s10] =	ssyncset.done $0x0  }
0xd9: {  	[sflag:s10] =	ssyncadd.s32 $0xFFFFFE80  }
0xda: {  	[tilespmem:s23], [sflag:$0x1] =	stream.indirect.gather [hbm4b:s0+s28], $0x80, s5, s28, $0xb8;
	[tilespmem:$0x1FC80] =	vst v63  }
0xdb: {  	_ =	swait.ge [sflag:s11], $0x3000  }
0xdc: {  	p0 =	sgt.s32 s20, $0x3;
	[sflag:s11] =	ssyncset.done $0x0  }
0xdd: {  	s17 =	smov.u32 s20;
	s16 =	simm.s32 $0x3;
	[sflag:s11] =	ssyncadd.s32 $0xFFFFD000  }
0xde: {  	[spmem:s3] =	stream.indirect.scatter.add.f32 [tilespmem:s31], [sflag:$0x5], $0x80, s12, s28, $0xb8;
	[tilespmem:$0x1FC80] =	vst v63  }
0xdf: {  	s17 =	smov.u32 @p0 s16;
	p0 =	sne.s32 s25, $0x1;
	_ =	swait.ge [sflag:s24], $0x3000  }
.Ltmp2:
0xe0: {  	[sflag:s24] =	ssyncset.done $0x0;
	(pc) =	sbr.rel @!p0 .LBB2_7-.Ltmp2, $4  }
0xe1: {  	s17 =	sadd.s32 s7, s17;
	[sflag:s24] =	ssyncadd.s32 $0xFFFFD000  }
0xe2: {  	[spmem:s4] =	stream.indirect.scatter.add.f32 [tilespmem:s9], [sflag:$0x5], $0x1, s13, s28, $0xb8;
	[tilespmem:$0x1FC80] =	vst v63  }
0xe3: {  	s18 =	sshll.u32 s17, $0x6;
	_ =	swait.ge [sflag:s24], $0x60  }
0xe4: {  	s17 =	sadd.s32 $0xFFFFFFFF, s25;
	s18 =	sand.u32 $0x1FFFFFC0, s18;
	[sflag:s24] =	ssyncset.done $0x0  }
.LBB2_6:
0xe5: {  	[sflag:s24] =	ssyncadd.s32 $0xFFFFFFA0;
	s18 =	sadd.s32 s6, s18;
	s16 =	sadd.s32 $0x2, s16  }
0xe6: {  	[tilespmem:s29], [sflag:$0x4] =	stream.linear.gather [hbm4b:s18+s5], $0x180, $0x38;
	[tilespmem:$0x1FC80] =	vst v63  }
0xe7: {  	p0 =	sne.s32 s17, $0x1;
	s17 =	sadd.s32 $0xFFFFFFFF, s17;
	_ =	swait.ge [sflag:s30], $0x180  }
0xe8: {  	[sflag:s30] =	ssyncset.done $0x0  }
0xe9: {  	[sflag:s30] =	ssyncadd.s32 $0xFFFFFE80  }
0xea: {  	[tilespmem:s31], [sflag:$0x2] =	stream.indirect.gather [hbm4b:s0+s28], $0x80, s29, s28, $0xb8;
	[tilespmem:$0x1FC80] =	vst v63  }
0xeb: {  	_ =	swait.ge [sflag:s2], $0x3000  }
0xec: {  	[sflag:s2] =	ssyncset.done $0x0  }
0xed: {  	s18 =	sadd.s32 $0xFFFFFFFF, s16;
	[sflag:s2] =	ssyncadd.s32 $0xFFFFD000  }
0xee: {  	[spmem:s3] =	stream.indirect.scatter.add.f32 [tilespmem:s23], [sflag:$0x5], $0x80, s1, s28, $0xb8;
	[tilespmem:$0x1FC80] =	vst v63  }
0xef: {  	s19 =	smov.u32 s20;
	p1 =	slt.s32 s18, s20;
	_ =	swait.ge [sflag:s24], $0x3000  }
0xf0: {  	s19 =	smov.u32 @p1 s18;
	[sflag:s24] =	ssyncset.done $0x0  }
0xf1: {  	s18 =	sadd.s32 s7, s19;
	[sflag:s24] =	ssyncadd.s32 $0xFFFFD000  }
0xf2: {  	[spmem:s4] =	stream.indirect.scatter.add.f32 [tilespmem:s9], [sflag:$0x5], $0x1, s21, s28, $0xb8;
	[tilespmem:$0x1FC80] =	vst v63  }
0xf3: {  	s18 =	sshll.u32 s18, $0x6;
	_ =	swait.ge [sflag:s24], $0x60  }
0xf4: {  	s18 =	sand.u32 $0x1FFFFFC0, s18;
	[sflag:s24] =	ssyncset.done $0x0  }
0xf5: {  	s18 =	sadd.s32 s6, s18;
	[sflag:s24] =	ssyncadd.s32 $0xFFFFFFA0  }
0xf6: {  	[tilespmem:s5], [sflag:$0x3] =	stream.linear.gather [hbm4b:s18+s5], $0x180, $0x38;
	[tilespmem:$0x1FC80] =	vst v63  }
0xf7: {  	_ =	swait.ge [sflag:s10], $0x180  }
0xf8: {  	[sflag:s10] =	ssyncset.done $0x0  }
0xf9: {  	[sflag:s10] =	ssyncadd.s32 $0xFFFFFE80  }
0xfa: {  	[tilespmem:s23], [sflag:$0x1] =	stream.indirect.gather [hbm4b:s0+s28], $0x80, s5, s28, $0xb8;
	[tilespmem:$0x1FC80] =	vst v63  }
0xfb: {  	_ =	swait.ge [sflag:s11], $0x3000  }
0xfc: {  	[sflag:s11] =	ssyncset.done $0x0  }
0xfd: {  	[sflag:s11] =	ssyncadd.s32 $0xFFFFD000  }
0xfe: {  	[spmem:s3] =	stream.indirect.scatter.add.f32 [tilespmem:s31], [sflag:$0x5], $0x80, s12, s28, $0xb8;
	[tilespmem:$0x1FC80] =	vst v63  }
0xff: {  	p1 =	slt.s32 s16, s20;
	s18 =	smov.u32 s20;
	_ =	swait.ge [sflag:s24], $0x3000  }
.Ltmp3:
0x100: {  	s18 =	smov.u32 @p1 s16;
	[sflag:s24] =	ssyncset.done $0x0;
	(pc) =	sbr.rel @p0 .LBB2_6-.Ltmp3, $4  }
0x101: {  	s18 =	sadd.s32 s7, s18;
	[sflag:s24] =	ssyncadd.s32 $0xFFFFD000  }
0x102: {  	[spmem:s4] =	stream.indirect.scatter.add.f32 [tilespmem:s9], [sflag:$0x5], $0x1, s13, s28, $0xb8;
	[tilespmem:$0x1FC80] =	vst v63  }
0x103: {  	s18 =	sshll.u32 s18, $0x6;
	_ =	swait.ge [sflag:s24], $0x60  }
0x104: {  	s18 =	sand.u32 $0x1FFFFFC0, s18;
	[sflag:s24] =	ssyncset.done $0x0  }
.LBB2_7:
0x105: {  	[sflag:s24] =	ssyncadd.s32 $0xFFFFFFA0;
	s17 =	sadd.s32 s6, s18  }
0x106: {  	[tilespmem:s29], [sflag:$0x4] =	stream.linear.gather [hbm4b:s17+s5], $0x180, $0x38;
	[tilespmem:$0x1FC80] =	vst v63  }
0x107: {  	_ =	swait.ge [sflag:s30], $0x180  }
0x108: {  	[sflag:s30] =	ssyncset.done $0x0  }
0x109: {  	[sflag:s30] =	ssyncadd.s32 $0xFFFFFE80  }
0x10a: {  	[tilespmem:s31], [sflag:$0x2] =	stream.indirect.gather [hbm4b:s0+s28], $0x80, s29, s28, $0xb8;
	[tilespmem:$0x1FC80] =	vst v63  }
0x10b: {  	_ =	swait.ge [sflag:s2], $0x3000  }
0x10c: {  	s16 =	sadd.s32 $0x2, s16;
	[sflag:s2] =	ssyncset.done $0x0  }
0x10d: {  	s17 =	sadd.s32 $0xFFFFFFFF, s16;
	[sflag:s2] =	ssyncadd.s32 $0xFFFFD000  }
0x10e: {  	[spmem:s3] =	stream.indirect.scatter.add.f32 [tilespmem:s23], [sflag:$0x5], $0x80, s1, s28, $0xb8;
	[tilespmem:$0x1FC80] =	vst v63  }
0x10f: {  	s18 =	smov.u32 s20;
	p0 =	slt.s32 s17, s20;
	_ =	swait.ge [sflag:s24], $0x3000  }
0x110: {  	s18 =	smov.u32 @p0 s17;
	[sflag:s24] =	ssyncset.done $0x0  }
0x111: {  	s17 =	sadd.s32 s7, s18;
	[sflag:s24] =	ssyncadd.s32 $0xFFFFD000  }
0x112: {  	[spmem:s4] =	stream.indirect.scatter.add.f32 [tilespmem:s9], [sflag:$0x5], $0x1, s21, s28, $0xb8;
	[tilespmem:$0x1FC80] =	vst v63  }
0x113: {  	s17 =	sshll.u32 s17, $0x6;
	_ =	swait.ge [sflag:s24], $0x60  }
0x114: {  	s17 =	sand.u32 $0x1FFFFFC0, s17;
	[sflag:s24] =	ssyncset.done $0x0  }
0x115: {  	s17 =	sadd.s32 s6, s17;
	[sflag:s24] =	ssyncadd.s32 $0xFFFFFFA0  }
0x116: {  	[tilespmem:s5], [sflag:$0x3] =	stream.linear.gather [hbm4b:s17+s5], $0x180, $0x38;
	[tilespmem:$0x1FC80] =	vst v63  }
0x117: {  	_ =	swait.ge [sflag:s10], $0x180  }
0x118: {  	[sflag:s10] =	ssyncset.done $0x0  }
0x119: {  	[sflag:s10] =	ssyncadd.s32 $0xFFFFFE80  }
0x11a: {  	[tilespmem:s23], [sflag:$0x1] =	stream.indirect.gather [hbm4b:s0+s28], $0x80, s5, s28, $0xb8;
	[tilespmem:$0x1FC80] =	vst v63  }
0x11b: {  	_ =	swait.ge [sflag:s11], $0x3000  }
0x11c: {  	[sflag:s11] =	ssyncset.done $0x0  }
0x11d: {  	[sflag:s11] =	ssyncadd.s32 $0xFFFFD000  }
0x11e: {  	[spmem:s3] =	stream.indirect.scatter.add.f32 [tilespmem:s31], [sflag:$0x5], $0x80, s12, s28, $0xb8;
	[tilespmem:$0x1FC80] =	vst v63  }
0x11f: {  	p0 =	slt.s32 s16, s20;
	s17 =	smov.u32 s20;
	_ =	swait.ge [sflag:s24], $0x3000  }
0x120: {  	s17 =	smov.u32 @p0 s16;
	[sflag:s24] =	ssyncset.done $0x0  }
0x121: {  	s16 =	sadd.s32 s7, s17;
	[sflag:s24] =	ssyncadd.s32 $0xFFFFD000  }
0x122: {  	[spmem:s4] =	stream.indirect.scatter.add.f32 [tilespmem:s9], [sflag:$0x5], $0x1, s13, s28, $0xb8;
	[tilespmem:$0x1FC80] =	vst v63  }
0x123: {  	s16 =	sshll.u32 s16, $0x6;
	_ =	swait.ge [sflag:s24], $0x60  }
0x124: {  	s16 =	sand.u32 $0x1FFFFFC0, s16;
	[sflag:s24] =	ssyncset.done $0x0  }
0x125: {  	s16 =	sadd.s32 s6, s16;
	[sflag:s24] =	ssyncadd.s32 $0xFFFFFFA0  }
0x126: {  	[tilespmem:s29], [sflag:$0x4] =	stream.linear.gather [hbm4b:s16+s5], $0x180, $0x38;
	[tilespmem:$0x1FC80] =	vst v63  }
0x127: {  	_ =	swait.ge [sflag:s30], $0x180  }
0x128: {  	[sflag:s30] =	ssyncset.done $0x0  }
0x129: {  	[sflag:s30] =	ssyncadd.s32 $0xFFFFFE80  }
0x12a: {  	_ =	swait.ge [sflag:s2], $0x3000  }
0x12b: {  	[sflag:s2] =	ssyncset.done $0x0  }
0x12c: {  	[sflag:s2] =	ssyncadd.s32 $0xFFFFD000  }
0x12d: {  	[spmem:s3] =	stream.indirect.scatter.add.f32 [tilespmem:s23], [sflag:$0x5], $0x80, s1, s28, $0xb8;
	[tilespmem:$0x1FC80] =	vst v63  }
0x12e: {  	_ =	swait.ge [sflag:s24], $0x3000  }
0x12f: {  	[sflag:s24] =	ssyncset.done $0x0  }
0x130: {  	[sflag:s24] =	ssyncadd.s32 $0xFFFFD000  }
0x131: {  	[spmem:s4] =	stream.indirect.scatter.add.f32 [tilespmem:s9], [sflag:$0x5], $0x1, s21, s28, $0xb8;
	[tilespmem:$0x1FC80] =	vst v63  }
0x132: {  	_ =	swait.ge [sflag:s24], $0x60  }
0x133: {  	[sflag:s24] =	ssyncset.done $0x0  }
0x134: {  	s17 =	stileid.u32;
	[sflag:s24] =	ssyncadd.s32 $0xFFFFFFA0  }
0x135: {  	s16 =	sshll.u32 s17, $0x6;
	[bflag:$0x0] =	sbarrier.arrive $0xFFFF  }
0x136: {  	s18 =	sshrl.u32 s8, $0x3;
	s16 =	sor.u32 $0x1C05, s16;
	s19 =	rddreg [dreg:$0xf]  }
0x137: {  	[hbm:s19], [sflag:s16] =	dma.local [spmem:s18], $0x2780  }
0x138: {  	_ =	swait.ge [sflag:s24], $0x2780  }
0x139: {  	[sflag:s24] =	ssyncset.done $0x0  }
0x13a: {  	s18 =	sshrl.u32 s14, $0x3;
	s19 =	rddreg [dreg:$0x10];
	[sflag:s24] =	ssyncadd.s32 $0xFFFFD880  }
0x13b: {  	[hbm:s19], [sflag:s16] =	dma.local [spmem:s18], $0xB00  }
0x13c: {  	_ =	swait.ge [sflag:s24], $0xB00  }
0x13d: {  	s15 =	sadd.s32 $0x1, s15;
	s19 =	rddreg [dreg:$0x11]  }
0x13e: {  	p0 =	sne.s32 s15, s19  }
.Ltmp4:
0x13f: {  	_ = 	snop;
	(pc) =	sbr.rel @p0 .LBB2_1-.Ltmp4, $3  }
0x140: {  	_ =	sdelay $0x1  }
0x141: {  	[sflag:s24] =	ssyncset.done $0x0  }
0x142: {  	[sflag:s24] =	ssyncadd.s32 $0xFFFFF500  }
0x143: {  	_ =	sfence.sel $0x180000  }
0x144: {  	[bflag:$0x0] =	sbarrier.arrive $0xFFFF  }
0x145: {  	_ =	strace $0x90000047  }
0x146: {  	s0 =	stileid.u32;
	[bflag:$0x2] =	sbarrier.arrive $0xFFFF  }
0x147: {  	p0 =	sne.s32 s0, $0x0;
	s0 =	rddreg [dreg:$0x4]  }
0x148: {  	s0 =	sadd.s32 @!p0 $0x100000, s0  }
0x149: {  	[sflag:s0] =	ssyncadd.tile.s32 @!p0 $0x1;
	_ =	shalt  }
.Lfunc_end2:
_tile_overlayer_lowered:
.L_overlay_start_2:
0x14a: {  	(tag) =	ssettag $0x2  }
0x14b: {  	s0 =	rddreg [dreg:$0x0];
	s2 =	stileid.u32  }
0x14c: {  	s1 =	rddreg [dreg:$0x1];
	p0 =	sne.s32 s2, $0x0  }
0x14d: {  	s3 =	rddreg [dreg:$0x2];
	[bflag:$0x3] =	sbarrier.arrive $0xFFFF;
	s2 =	simm.s32 @!p0 $0x1C05  }
0x14e: {  	[timem:s3], [sflag:s2] =	dma.local @!p0 [hbm:s0], s1  }
0x14f: {  	s0 =	simm.s32 @!p0 $0x5  }
0x150: {  	_ =	swait.ge @!p0 [sflag:s0], s1  }
0x151: {  	s1 =	ssub.s32 @!p0 $0x0, s1;
	[sflag:s0] =	ssyncset.done @!p0 $0x0  }
0x152: {  	[sflag:s0] =	ssyncadd.s32 @!p0 s1  }
0x153: {  	[bflag:$0x3] =	sbarrier.arrive $0xFFFF  }
0x154: {  	_ =	shalt  }

</sc_bundles>
